<compile_context>
chip_gen: v7x
topology: tpu7x:2x2x1
jax: 0.10.2.dev20260603
libtpu: 0.0.44.dev20260713+nightly
codegen_flags: <defaults>
</compile_context>

<pallas_src>
import functools

import jax
import jax.numpy as jnp
from jax import lax
from jax.experimental import pallas as pl
from jax.experimental.pallas import tpu as pltpu
from jax.experimental.pallas import tpu_sc as plsc

B, S, D, E = 4, 8192, 768, 8
NTOK = B * S
BLK = 4096

NC, NS = 2, 16
NW = NC * NS
TPW = NTOK // NW
CHUNK = 16


def _h_body(x_ref, wg_ref, bg_ref, wn_ref, bn_ref, eps_ref, h_ref):
    xb = x_ref[...]
    dn = (((1,), (1,)), ((), ()))
    gate = lax.dot_general(wg_ref[...], xb, dn,
                           preferred_element_type=jnp.float32) + bg_ref[...]
    noise = lax.dot_general(wn_ref[...], xb, dn,
                            preferred_element_type=jnp.float32) + bn_ref[...]
    h_ref[...] = gate + eps_ref[...].T * jax.nn.softplus(noise)


@functools.partial(
    pl.kernel,
    out_type=jax.ShapeDtypeStruct((E, NTOK), jnp.float32),
    mesh=plsc.VectorSubcoreMesh(core_axis_name="c", subcore_axis_name="s"),
    scratch_types=[
        pltpu.VMEM((E, TPW), jnp.float32),
        pltpu.VMEM((E, TPW), jnp.float32),
    ],
)
def _gate_sc(h_hbm, out_hbm, hbuf, gbuf):
    wid = lax.axis_index("s") * NC + lax.axis_index("c")
    base = wid * TPW
    pltpu.sync_copy(h_hbm.at[:, pl.ds(base, TPW)], hbuf)

    @plsc.parallel_loop(0, TPW, CHUNK, unroll=4)
    def chunk(t0):
        v = [hbuf[e, pl.ds(t0, CHUNK)] for e in range(E)]
        m1 = v[0]
        for e in range(1, E):
            m1 = jnp.maximum(m1, v[e])
        i1 = jnp.full((CHUNK,), E, jnp.int32)
        for e in reversed(range(E)):
            i1 = jnp.where(v[e] == m1, jnp.int32(e), i1)
        eq1 = [i1 == e for e in range(E)]
        h2 = [jnp.where(eq1[e], -jnp.inf, v[e]) for e in range(E)]
        m2 = h2[0]
        for e in range(1, E):
            m2 = jnp.maximum(m2, h2[e])
        i2 = jnp.full((CHUNK,), E, jnp.int32)
        for e in reversed(range(E)):
            i2 = jnp.where(h2[e] == m2, jnp.int32(e), i2)
        e2 = jnp.exp(m2 - m1)
        inv = 1.0 / (1.0 + e2)
        p2 = e2 * inv
        zero = jnp.zeros((CHUNK,), jnp.float32)
        for e in range(E):
            out_e = jnp.where(eq1[e], inv, jnp.where(i2 == e, p2, zero))
            gbuf[e, pl.ds(t0, CHUNK)] = out_e
    pltpu.sync_copy(gbuf, out_hbm.at[:, pl.ds(base, TPW)])


@jax.jit
def kernel(x, Wg, bg, Wnoise, bnoise, eps):
    x2 = x.reshape(NTOK, D)
    eps2 = eps.reshape(NTOK, E)
    h = pl.pallas_call(
        _h_body,
        grid=(NTOK // BLK,),
        in_specs=[
            pl.BlockSpec((BLK, D), lambda i: (i, 0)),
            pl.BlockSpec((E, D), lambda i: (0, 0)),
            pl.BlockSpec((E, 1), lambda i: (0, 0)),
            pl.BlockSpec((E, D), lambda i: (0, 0)),
            pl.BlockSpec((E, 1), lambda i: (0, 0)),
            pl.BlockSpec((BLK, E), lambda i: (i, 0)),
        ],
        out_specs=pl.BlockSpec((E, BLK), lambda i: (0, i)),
        out_shape=jax.ShapeDtypeStruct((E, NTOK), jnp.float32),
    )(x2, Wg, bg.reshape(E, 1), Wnoise, bnoise.reshape(E, 1), eps2)
    gT = _gate_sc(h)
    return gT.T.reshape(B, S, E)

# --- scband reference (transcript-rebuilt; emitter-appended) ---
"""Pipeline reference for scband-noisy-top-kgating-13245679141623 (READ-ONLY COPY).

The authoritative reference and input builder live on the scoring server;
editing this copy changes nothing except your own understanding.
"""

import jax, jax.numpy as jnp
import numpy as np

B, S, D, E, K = 4, 8192, 768, 8, 2

def setup_inputs(seed: int = 0):
    key = jax.random.key(seed)
    k1, k2, k3, k4 = jax.random.split(key, 4)
    x = jax.random.normal(k1, (B, S, D), dtype=jnp.float32)
    Wg = jax.random.normal(k2, (E, D), dtype=jnp.float32) * (1.0 / np.sqrt(D))
    bg = jnp.zeros((E,), dtype=jnp.float32)
    Wnoise = jax.random.normal(k3, (E, D), dtype=jnp.float32) * (1.0 / np.sqrt(D))
    bnoise = jnp.zeros((E,), dtype=jnp.float32)
    # eps plays the role of torch.randn_like(noise): a fixed standard-normal draw
    eps = jax.random.normal(k4, (B, S, E), dtype=jnp.float32)
    return {"x": x, "Wg": Wg, "bg": bg, "Wnoise": Wnoise, "bnoise": bnoise, "eps": eps}

def reference(x, Wg, bg, Wnoise, bnoise, eps):
    gate = jnp.einsum('bsd,ed->bse', x, Wg) + bg
    noise = jnp.einsum('bsd,ed->bse', x, Wnoise) + bnoise
    h = gate + eps * jax.nn.softplus(noise)
    topk_vals, topk_idxs = jax.lax.top_k(h, K)
    b_idx = jnp.arange(h.shape[0])[:, None, None]
    s_idx = jnp.arange(h.shape[1])[None, :, None]
    g = jnp.full_like(h, -jnp.inf)
    g = g.at[b_idx, s_idx, topk_idxs].set(topk_vals)
    g = jax.nn.softmax(g, axis=-1)
    return g

if __name__ == "__main__":
    import jax
    _d = setup_inputs()
    print(jax.jit(kernel)(*tuple(_d.values())))

</pallas_src>

<mosaic_0001>
#map = affine_map<(d0, d1) -> (0, 0)>
module attributes {stable_mosaic.version = 14 : i64} {
  func.func @_gate_sc(%arg0: i32, %arg1: i32, %arg2: memref<8x32768xf32, #tpu.memory_space<hbm>>, %arg3: memref<8x32768xf32, #tpu.memory_space<hbm>>, %arg4: memref<8x1024xf32, #tpu.memory_space<vmem>>, %arg5: memref<8x1024xf32, #tpu.memory_space<vmem>>) attributes {dimension_semantics = [#tpu.dimension_semantics<core_parallel>, #tpu.dimension_semantics<subcore_parallel>], iteration_bounds = array<i64: 2, 16>, scalar_prefetch = 0 : i64, scratch_operands = 2 : i64, tpu.core_type = #tpu.core_type<sc_vector_subcore>, window_params = [{transform_indices = #map}, {transform_indices = #map}]} {
    %mul3A = arith.constant 2 : i32
    %mul3A_0 = arith.muli %arg1, %mul3A : i32
    %add3A = arith.addi %mul3A_0, %arg0 : i32
    %mul3A_1 = arith.constant 1024 : i32
    %mul3A_2 = arith.muli %add3A, %mul3A_1 : i32
    "tpu.region"() ({
      %run_scoped3A = tpu.sem_alloc : memref<!tpu.dma_semaphore, #tpu.memory_space<semaphore_mem>>
      %dma_start3A = arith.constant 0 : i32
      %dma_start3A_5 = tpu.memref_slice %arg2[%dma_start3A, %mul3A_2] : memref<8x32768xf32, #tpu.memory_space<hbm>> -> memref<8x1024xf32, #tpu.memory_space<hbm>>
      %dma_start3A_6 = arith.constant 0 : i32
      %dma_start3A_7 = tpu.memref_slice %arg2[%dma_start3A_6, %mul3A_2] : memref<8x32768xf32, #tpu.memory_space<hbm>> -> memref<8x1024xf32, #tpu.memory_space<hbm>>
      tpu.enqueue_dma source(%dma_start3A_7 : memref<8x1024xf32, #tpu.memory_space<hbm>>) target(%arg4 : memref<8x1024xf32, #tpu.memory_space<vmem>>) target_semaphore(%run_scoped3A : memref<!tpu.dma_semaphore, #tpu.memory_space<semaphore_mem>>)
      %dma_wait3A = arith.constant 0 : i32
      %dma_wait3A_8 = tpu.memref_slice %arg2[%dma_wait3A, %mul3A_2] : memref<8x32768xf32, #tpu.memory_space<hbm>> -> memref<8x1024xf32, #tpu.memory_space<hbm>>
      %dma_wait3A_9 = arith.constant 0 : i32
      %dma_wait3A_10 = tpu.memref_slice %arg2[%dma_wait3A_9, %mul3A_2] : memref<8x32768xf32, #tpu.memory_space<hbm>> -> memref<8x1024xf32, #tpu.memory_space<hbm>>
      tpu.wait_dma2 semaphore(%run_scoped3A : memref<!tpu.dma_semaphore, #tpu.memory_space<semaphore_mem>>) src(%dma_wait3A_10 : memref<8x1024xf32, #tpu.memory_space<hbm>>) dst(%arg4 : memref<8x1024xf32, #tpu.memory_space<vmem>>)
      tpu.yield
    }) : () -> ()
    %parallel_loop3A = arith.constant 0 : i32
    %parallel_loop3A_3 = arith.constant 1024 : i32
    %parallel_loop3A_4 = arith.constant 16 : i32
    scf.for %parallel_loop3A_5 = %parallel_loop3A to %parallel_loop3A_3 step %parallel_loop3A_4  : i32 {
      %parallel_loop3A_6 = arith.constant 0 : i32
      %parallel_loop3A_7 = arith.index_cast %parallel_loop3A_6 : i32 to index
      %parallel_loop3A_8 = arith.index_cast %parallel_loop3A_5 : i32 to index
      %parallel_loop3A_9 = tpu.vector_load %arg4[%parallel_loop3A_7, %parallel_loop3A_8] {strides = array<i32>} : memref<8x1024xf32, #tpu.memory_space<vmem>>, vector<1x16xf32>,
      %parallel_loop3A_10 = vector.shape_cast %parallel_loop3A_9 : vector<1x16xf32> to vector<16xf32>
      %parallel_loop3A_11 = arith.constant 1 : i32
      %parallel_loop3A_12 = arith.index_cast %parallel_loop3A_11 : i32 to index
      %parallel_loop3A_13 = arith.index_cast %parallel_loop3A_5 : i32 to index
      %parallel_loop3A_14 = tpu.vector_load %arg4[%parallel_loop3A_12, %parallel_loop3A_13] {strides = array<i32>} : memref<8x1024xf32, #tpu.memory_space<vmem>>, vector<1x16xf32>,
      %parallel_loop3A_15 = vector.shape_cast %parallel_loop3A_14 : vector<1x16xf32> to vector<16xf32>
      %parallel_loop3A_16 = arith.constant 2 : i32
      %parallel_loop3A_17 = arith.index_cast %parallel_loop3A_16 : i32 to index
      %parallel_loop3A_18 = arith.index_cast %parallel_loop3A_5 : i32 to index
      %parallel_loop3A_19 = tpu.vector_load %arg4[%parallel_loop3A_17, %parallel_loop3A_18] {strides = array<i32>} : memref<8x1024xf32, #tpu.memory_space<vmem>>, vector<1x16xf32>,
      %parallel_loop3A_20 = vector.shape_cast %parallel_loop3A_19 : vector<1x16xf32> to vector<16xf32>
      %parallel_loop3A_21 = arith.constant 3 : i32
      %parallel_loop3A_22 = arith.index_cast %parallel_loop3A_21 : i32 to index
      %parallel_loop3A_23 = arith.index_cast %parallel_loop3A_5 : i32 to index
      %parallel_loop3A_24 = tpu.vector_load %arg4[%parallel_loop3A_22, %parallel_loop3A_23] {strides = array<i32>} : memref<8x1024xf32, #tpu.memory_space<vmem>>, vector<1x16xf32>,
      %parallel_loop3A_25 = vector.shape_cast %parallel_loop3A_24 : vector<1x16xf32> to vector<16xf32>
      %parallel_loop3A_26 = arith.constant 4 : i32
      %parallel_loop3A_27 = arith.index_cast %parallel_loop3A_26 : i32 to index
      %parallel_loop3A_28 = arith.index_cast %parallel_loop3A_5 : i32 to index
      %parallel_loop3A_29 = tpu.vector_load %arg4[%parallel_loop3A_27, %parallel_loop3A_28] {strides = array<i32>} : memref<8x1024xf32, #tpu.memory_space<vmem>>, vector<1x16xf32>,
      %parallel_loop3A_30 = vector.shape_cast %parallel_loop3A_29 : vector<1x16xf32> to vector<16xf32>
      %parallel_loop3A_31 = arith.constant 5 : i32
      %parallel_loop3A_32 = arith.index_cast %parallel_loop3A_31 : i32 to index
      %parallel_loop3A_33 = arith.index_cast %parallel_loop3A_5 : i32 to index
      %parallel_loop3A_34 = tpu.vector_load %arg4[%parallel_loop3A_32, %parallel_loop3A_33] {strides = array<i32>} : memref<8x1024xf32, #tpu.memory_space<vmem>>, vector<1x16xf32>,
      %parallel_loop3A_35 = vector.shape_cast %parallel_loop3A_34 : vector<1x16xf32> to vector<16xf32>
      %parallel_loop3A_36 = arith.constant 6 : i32
      %parallel_loop3A_37 = arith.index_cast %parallel_loop3A_36 : i32 to index
      %parallel_loop3A_38 = arith.index_cast %parallel_loop3A_5 : i32 to index
      %parallel_loop3A_39 = tpu.vector_load %arg4[%parallel_loop3A_37, %parallel_loop3A_38] {strides = array<i32>} : memref<8x1024xf32, #tpu.memory_space<vmem>>, vector<1x16xf32>,
      %parallel_loop3A_40 = vector.shape_cast %parallel_loop3A_39 : vector<1x16xf32> to vector<16xf32>
      %parallel_loop3A_41 = arith.constant 7 : i32
      %parallel_loop3A_42 = arith.index_cast %parallel_loop3A_41 : i32 to index
      %parallel_loop3A_43 = arith.index_cast %parallel_loop3A_5 : i32 to index
      %parallel_loop3A_44 = tpu.vector_load %arg4[%parallel_loop3A_42, %parallel_loop3A_43] {strides = array<i32>} : memref<8x1024xf32, #tpu.memory_space<vmem>>, vector<1x16xf32>,
      %parallel_loop3A_45 = vector.shape_cast %parallel_loop3A_44 : vector<1x16xf32> to vector<16xf32>
      %parallel_loop3A_46 = arith.maximumf %parallel_loop3A_10, %parallel_loop3A_15 : vector<16xf32>
      %parallel_loop3A_47 = arith.maximumf %parallel_loop3A_46, %parallel_loop3A_20 : vector<16xf32>
      %parallel_loop3A_48 = arith.maximumf %parallel_loop3A_47, %parallel_loop3A_25 : vector<16xf32>
      %parallel_loop3A_49 = arith.maximumf %parallel_loop3A_48, %parallel_loop3A_30 : vector<16xf32>
      %parallel_loop3A_50 = arith.maximumf %parallel_loop3A_49, %parallel_loop3A_35 : vector<16xf32>
      %parallel_loop3A_51 = arith.maximumf %parallel_loop3A_50, %parallel_loop3A_40 : vector<16xf32>
      %parallel_loop3A_52 = arith.maximumf %parallel_loop3A_51, %parallel_loop3A_45 : vector<16xf32>
      %parallel_loop3A_53 = arith.constant 8 : i32
      %parallel_loop3A_54 = vector.broadcast %parallel_loop3A_53 : i32 to vector<16xi32>
      %parallel_loop3A_55 = arith.cmpf oeq, %parallel_loop3A_45, %parallel_loop3A_52 : vector<16xf32>
      %parallel_loop3A_56 = arith.constant 7 : i32
      %parallel_loop3A_57 = vector.broadcast %parallel_loop3A_56 : i32 to vector<16xi32>
      %parallel_loop3A_58 = arith.select %parallel_loop3A_55, %parallel_loop3A_57, %parallel_loop3A_54 : vector<16xi1>, vector<16xi32>
      %parallel_loop3A_59 = arith.cmpf oeq, %parallel_loop3A_40, %parallel_loop3A_52 : vector<16xf32>
      %parallel_loop3A_60 = arith.constant 6 : i32
      %parallel_loop3A_61 = vector.broadcast %parallel_loop3A_60 : i32 to vector<16xi32>
      %parallel_loop3A_62 = arith.select %parallel_loop3A_59, %parallel_loop3A_61, %parallel_loop3A_58 : vector<16xi1>, vector<16xi32>
      %parallel_loop3A_63 = arith.cmpf oeq, %parallel_loop3A_35, %parallel_loop3A_52 : vector<16xf32>
      %parallel_loop3A_64 = arith.constant 5 : i32
      %parallel_loop3A_65 = vector.broadcast %parallel_loop3A_64 : i32 to vector<16xi32>
      %parallel_loop3A_66 = arith.select %parallel_loop3A_63, %parallel_loop3A_65, %parallel_loop3A_62 : vector<16xi1>, vector<16xi32>
      %parallel_loop3A_67 = arith.cmpf oeq, %parallel_loop3A_30, %parallel_loop3A_52 : vector<16xf32>
      %parallel_loop3A_68 = arith.constant 4 : i32
      %parallel_loop3A_69 = vector.broadcast %parallel_loop3A_68 : i32 to vector<16xi32>
      %parallel_loop3A_70 = arith.select %parallel_loop3A_67, %parallel_loop3A_69, %parallel_loop3A_66 : vector<16xi1>, vector<16xi32>
      %parallel_loop3A_71 = arith.cmpf oeq, %parallel_loop3A_25, %parallel_loop3A_52 : vector<16xf32>
      %parallel_loop3A_72 = arith.constant 3 : i32
      %parallel_loop3A_73 = vector.broadcast %parallel_loop3A_72 : i32 to vector<16xi32>
      %parallel_loop3A_74 = arith.select %parallel_loop3A_71, %parallel_loop3A_73, %parallel_loop3A_70 : vector<16xi1>, vector<16xi32>
      %parallel_loop3A_75 = arith.cmpf oeq, %parallel_loop3A_20, %parallel_loop3A_52 : vector<16xf32>
      %parallel_loop3A_76 = arith.constant 2 : i32
      %parallel_loop3A_77 = vector.broadcast %parallel_loop3A_76 : i32 to vector<16xi32>
      %parallel_loop3A_78 = arith.select %parallel_loop3A_75, %parallel_loop3A_77, %parallel_loop3A_74 : vector<16xi1>, vector<16xi32>
      %parallel_loop3A_79 = arith.cmpf oeq, %parallel_loop3A_15, %parallel_loop3A_52 : vector<16xf32>
      %parallel_loop3A_80 = arith.constant 1 : i32
      %parallel_loop3A_81 = vector.broadcast %parallel_loop3A_80 : i32 to vector<16xi32>
      %parallel_loop3A_82 = arith.select %parallel_loop3A_79, %parallel_loop3A_81, %parallel_loop3A_78 : vector<16xi1>, vector<16xi32>
      %parallel_loop3A_83 = arith.cmpf oeq, %parallel_loop3A_10, %parallel_loop3A_52 : vector<16xf32>
      %parallel_loop3A_84 = arith.constant 0 : i32
      %parallel_loop3A_85 = vector.broadcast %parallel_loop3A_84 : i32 to vector<16xi32>
      %parallel_loop3A_86 = arith.select %parallel_loop3A_83, %parallel_loop3A_85, %parallel_loop3A_82 : vector<16xi1>, vector<16xi32>
      %parallel_loop3A_87 = arith.constant 0 : i32
      %parallel_loop3A_88 = vector.broadcast %parallel_loop3A_87 : i32 to vector<16xi32>
      %parallel_loop3A_89 = arith.cmpi eq, %parallel_loop3A_86, %parallel_loop3A_88 : vector<16xi32>
      %parallel_loop3A_90 = arith.constant 1 : i32
      %parallel_loop3A_91 = vector.broadcast %parallel_loop3A_90 : i32 to vector<16xi32>
      %parallel_loop3A_92 = arith.cmpi eq, %parallel_loop3A_86, %parallel_loop3A_91 : vector<16xi32>
      %parallel_loop3A_93 = arith.constant 2 : i32
      %parallel_loop3A_94 = vector.broadcast %parallel_loop3A_93 : i32 to vector<16xi32>
      %parallel_loop3A_95 = arith.cmpi eq, %parallel_loop3A_86, %parallel_loop3A_94 : vector<16xi32>
      %parallel_loop3A_96 = arith.constant 3 : i32
      %parallel_loop3A_97 = vector.broadcast %parallel_loop3A_96 : i32 to vector<16xi32>
      %parallel_loop3A_98 = arith.cmpi eq, %parallel_loop3A_86, %parallel_loop3A_97 : vector<16xi32>
      %parallel_loop3A_99 = arith.constant 4 : i32
      %parallel_loop3A_100 = vector.broadcast %parallel_loop3A_99 : i32 to vector<16xi32>
      %parallel_loop3A_101 = arith.cmpi eq, %parallel_loop3A_86, %parallel_loop3A_100 : vector<16xi32>
      %parallel_loop3A_102 = arith.constant 5 : i32
      %parallel_loop3A_103 = vector.broadcast %parallel_loop3A_102 : i32 to vector<16xi32>
      %parallel_loop3A_104 = arith.cmpi eq, %parallel_loop3A_86, %parallel_loop3A_103 : vector<16xi32>
      %parallel_loop3A_105 = arith.constant 6 : i32
      %parallel_loop3A_106 = vector.broadcast %parallel_loop3A_105 : i32 to vector<16xi32>
      %parallel_loop3A_107 = arith.cmpi eq, %parallel_loop3A_86, %parallel_loop3A_106 : vector<16xi32>
      %parallel_loop3A_108 = arith.constant 7 : i32
      %parallel_loop3A_109 = vector.broadcast %parallel_loop3A_108 : i32 to vector<16xi32>
      %parallel_loop3A_110 = arith.cmpi eq, %parallel_loop3A_86, %parallel_loop3A_109 : vector<16xi32>
      %parallel_loop3A_111 = arith.constant 0xFF800000 : f32
      %parallel_loop3A_112 = vector.broadcast %parallel_loop3A_111 : f32 to vector<16xf32>
      %parallel_loop3A_113 = arith.select %parallel_loop3A_89, %parallel_loop3A_112, %parallel_loop3A_10 : vector<16xi1>, vector<16xf32>
      %parallel_loop3A_114 = arith.constant 0xFF800000 : f32
      %parallel_loop3A_115 = vector.broadcast %parallel_loop3A_114 : f32 to vector<16xf32>
      %parallel_loop3A_116 = arith.select %parallel_loop3A_92, %parallel_loop3A_115, %parallel_loop3A_15 : vector<16xi1>, vector<16xf32>
      %parallel_loop3A_117 = arith.constant 0xFF800000 : f32
      %parallel_loop3A_118 = vector.broadcast %parallel_loop3A_117 : f32 to vector<16xf32>
      %parallel_loop3A_119 = arith.select %parallel_loop3A_95, %parallel_loop3A_118, %parallel_loop3A_20 : vector<16xi1>, vector<16xf32>
      %parallel_loop3A_120 = arith.constant 0xFF800000 : f32
      %parallel_loop3A_121 = vector.broadcast %parallel_loop3A_120 : f32 to vector<16xf32>
      %parallel_loop3A_122 = arith.select %parallel_loop3A_98, %parallel_loop3A_121, %parallel_loop3A_25 : vector<16xi1>, vector<16xf32>
      %parallel_loop3A_123 = arith.constant 0xFF800000 : f32
      %parallel_loop3A_124 = vector.broadcast %parallel_loop3A_123 : f32 to vector<16xf32>
      %parallel_loop3A_125 = arith.select %parallel_loop3A_101, %parallel_loop3A_124, %parallel_loop3A_30 : vector<16xi1>, vector<16xf32>
      %parallel_loop3A_126 = arith.constant 0xFF800000 : f32
      %parallel_loop3A_127 = vector.broadcast %parallel_loop3A_126 : f32 to vector<16xf32>
      %parallel_loop3A_128 = arith.select %parallel_loop3A_104, %parallel_loop3A_127, %parallel_loop3A_35 : vector<16xi1>, vector<16xf32>
      %parallel_loop3A_129 = arith.constant 0xFF800000 : f32
      %parallel_loop3A_130 = vector.broadcast %parallel_loop3A_129 : f32 to vector<16xf32>
      %parallel_loop3A_131 = arith.select %parallel_loop3A_107, %parallel_loop3A_130, %parallel_loop3A_40 : vector<16xi1>, vector<16xf32>
      %parallel_loop3A_132 = arith.constant 0xFF800000 : f32
      %parallel_loop3A_133 = vector.broadcast %parallel_loop3A_132 : f32 to vector<16xf32>
      %parallel_loop3A_134 = arith.select %parallel_loop3A_110, %parallel_loop3A_133, %parallel_loop3A_45 : vector<16xi1>, vector<16xf32>
      %parallel_loop3A_135 = arith.maximumf %parallel_loop3A_113, %parallel_loop3A_116 : vector<16xf32>
      %parallel_loop3A_136 = arith.maximumf %parallel_loop3A_135, %parallel_loop3A_119 : vector<16xf32>
      %parallel_loop3A_137 = arith.maximumf %parallel_loop3A_136, %parallel_loop3A_122 : vector<16xf32>
      %parallel_loop3A_138 = arith.maximumf %parallel_loop3A_137, %parallel_loop3A_125 : vector<16xf32>
      %parallel_loop3A_139 = arith.maximumf %parallel_loop3A_138, %parallel_loop3A_128 : vector<16xf32>
      %parallel_loop3A_140 = arith.maximumf %parallel_loop3A_139, %parallel_loop3A_131 : vector<16xf32>
      %parallel_loop3A_141 = arith.maximumf %parallel_loop3A_140, %parallel_loop3A_134 : vector<16xf32>
      %parallel_loop3A_142 = arith.constant 8 : i32
      %parallel_loop3A_143 = vector.broadcast %parallel_loop3A_142 : i32 to vector<16xi32>
      %parallel_loop3A_144 = arith.cmpf oeq, %parallel_loop3A_134, %parallel_loop3A_141 : vector<16xf32>
      %parallel_loop3A_145 = arith.constant 7 : i32
      %parallel_loop3A_146 = vector.broadcast %parallel_loop3A_145 : i32 to vector<16xi32>
      %parallel_loop3A_147 = arith.select %parallel_loop3A_144, %parallel_loop3A_146, %parallel_loop3A_143 : vector<16xi1>, vector<16xi32>
      %parallel_loop3A_148 = arith.cmpf oeq, %parallel_loop3A_131, %parallel_loop3A_141 : vector<16xf32>
      %parallel_loop3A_149 = arith.constant 6 : i32
      %parallel_loop3A_150 = vector.broadcast %parallel_loop3A_149 : i32 to vector<16xi32>
      %parallel_loop3A_151 = arith.select %parallel_loop3A_148, %parallel_loop3A_150, %parallel_loop3A_147 : vector<16xi1>, vector<16xi32>
      %parallel_loop3A_152 = arith.cmpf oeq, %parallel_loop3A_128, %parallel_loop3A_141 : vector<16xf32>
      %parallel_loop3A_153 = arith.constant 5 : i32
      %parallel_loop3A_154 = vector.broadcast %parallel_loop3A_153 : i32 to vector<16xi32>
      %parallel_loop3A_155 = arith.select %parallel_loop3A_152, %parallel_loop3A_154, %parallel_loop3A_151 : vector<16xi1>, vector<16xi32>
      %parallel_loop3A_156 = arith.cmpf oeq, %parallel_loop3A_125, %parallel_loop3A_141 : vector<16xf32>
      %parallel_loop3A_157 = arith.constant 4 : i32
      %parallel_loop3A_158 = vector.broadcast %parallel_loop3A_157 : i32 to vector<16xi32>
      %parallel_loop3A_159 = arith.select %parallel_loop3A_156, %parallel_loop3A_158, %parallel_loop3A_155 : vector<16xi1>, vector<16xi32>
      %parallel_loop3A_160 = arith.cmpf oeq, %parallel_loop3A_122, %parallel_loop3A_141 : vector<16xf32>
      %parallel_loop3A_161 = arith.constant 3 : i32
      %parallel_loop3A_162 = vector.broadcast %parallel_loop3A_161 : i32 to vector<16xi32>
      %parallel_loop3A_163 = arith.select %parallel_loop3A_160, %parallel_loop3A_162, %parallel_loop3A_159 : vector<16xi1>, vector<16xi32>
      %parallel_loop3A_164 = arith.cmpf oeq, %parallel_loop3A_119, %parallel_loop3A_141 : vector<16xf32>
      %parallel_loop3A_165 = arith.constant 2 : i32
      %parallel_loop3A_166 = vector.broadcast %parallel_loop3A_165 : i32 to vector<16xi32>
      %parallel_loop3A_167 = arith.select %parallel_loop3A_164, %parallel_loop3A_166, %parallel_loop3A_163 : vector<16xi1>, vector<16xi32>
      %parallel_loop3A_168 = arith.cmpf oeq, %parallel_loop3A_116, %parallel_loop3A_141 : vector<16xf32>
      %parallel_loop3A_169 = arith.constant 1 : i32
      %parallel_loop3A_170 = vector.broadcast %parallel_loop3A_169 : i32 to vector<16xi32>
      %parallel_loop3A_171 = arith.select %parallel_loop3A_168, %parallel_loop3A_170, %parallel_loop3A_167 : vector<16xi1>, vector<16xi32>
      %parallel_loop3A_172 = arith.cmpf oeq, %parallel_loop3A_113, %parallel_loop3A_141 : vector<16xf32>
      %parallel_loop3A_173 = arith.constant 0 : i32
      %parallel_loop3A_174 = vector.broadcast %parallel_loop3A_173 : i32 to vector<16xi32>
      %parallel_loop3A_175 = arith.select %parallel_loop3A_172, %parallel_loop3A_174, %parallel_loop3A_171 : vector<16xi1>, vector<16xi32>
      %parallel_loop3A_176 = arith.subf %parallel_loop3A_141, %parallel_loop3A_52 : vector<16xf32>
      %parallel_loop3A_177 = math.exp %parallel_loop3A_176 : vector<16xf32>
      %parallel_loop3A_178 = arith.constant 1.000000e+00 : f32
      %parallel_loop3A_179 = vector.broadcast %parallel_loop3A_178 : f32 to vector<16xf32>
      %parallel_loop3A_180 = arith.addf %parallel_loop3A_179, %parallel_loop3A_177 : vector<16xf32>
      %parallel_loop3A_181 = arith.constant 1.000000e+00 : f32
      %parallel_loop3A_182 = vector.broadcast %parallel_loop3A_181 : f32 to vector<16xf32>
      %parallel_loop3A_183 = arith.divf %parallel_loop3A_182, %parallel_loop3A_180 : vector<16xf32>
      %parallel_loop3A_184 = arith.mulf %parallel_loop3A_177, %parallel_loop3A_183 : vector<16xf32>
      %parallel_loop3A_185 = arith.constant 0.000000e+00 : f32
      %parallel_loop3A_186 = vector.broadcast %parallel_loop3A_185 : f32 to vector<16xf32>
      %parallel_loop3A_187 = arith.constant 0 : i32
      %parallel_loop3A_188 = vector.broadcast %parallel_loop3A_187 : i32 to vector<16xi32>
      %parallel_loop3A_189 = arith.cmpi eq, %parallel_loop3A_175, %parallel_loop3A_188 : vector<16xi32>
      %parallel_loop3A_190 = arith.select %parallel_loop3A_189, %parallel_loop3A_184, %parallel_loop3A_186 : vector<16xi1>, vector<16xf32>
      %parallel_loop3A_191 = arith.select %parallel_loop3A_89, %parallel_loop3A_183, %parallel_loop3A_190 : vector<16xi1>, vector<16xf32>
      %parallel_loop3A_192 = arith.constant 0 : i32
      %parallel_loop3A_193 = arith.index_cast %parallel_loop3A_192 : i32 to index
      %parallel_loop3A_194 = arith.index_cast %parallel_loop3A_5 : i32 to index
      %parallel_loop3A_195 = tpu.vector_load %arg5[%parallel_loop3A_193, %parallel_loop3A_194] {strides = array<i32>} : memref<8x1024xf32, #tpu.memory_space<vmem>>, vector<1x16xf32>,
      %parallel_loop3A_196 = vector.shape_cast %parallel_loop3A_195 : vector<1x16xf32> to vector<16xf32>
      %parallel_loop3A_197 = vector.shape_cast %parallel_loop3A_191 : vector<16xf32> to vector<1x16xf32>
      tpu.vector_store %arg5[%parallel_loop3A_193, %parallel_loop3A_194], %parallel_loop3A_197 {strides = array<i32>} : memref<8x1024xf32, #tpu.memory_space<vmem>>, vector<1x16xf32>,
      %parallel_loop3A_198 = arith.constant 1 : i32
      %parallel_loop3A_199 = vector.broadcast %parallel_loop3A_198 : i32 to vector<16xi32>
      %parallel_loop3A_200 = arith.cmpi eq, %parallel_loop3A_175, %parallel_loop3A_199 : vector<16xi32>
      %parallel_loop3A_201 = arith.select %parallel_loop3A_200, %parallel_loop3A_184, %parallel_loop3A_186 : vector<16xi1>, vector<16xf32>
      %parallel_loop3A_202 = arith.select %parallel_loop3A_92, %parallel_loop3A_183, %parallel_loop3A_201 : vector<16xi1>, vector<16xf32>
      %parallel_loop3A_203 = arith.constant 1 : i32
      %parallel_loop3A_204 = arith.index_cast %parallel_loop3A_203 : i32 to index
      %parallel_loop3A_205 = arith.index_cast %parallel_loop3A_5 : i32 to index
      %parallel_loop3A_206 = tpu.vector_load %arg5[%parallel_loop3A_204, %parallel_loop3A_205] {strides = array<i32>} : memref<8x1024xf32, #tpu.memory_space<vmem>>, vector<1x16xf32>,
      %parallel_loop3A_207 = vector.shape_cast %parallel_loop3A_206 : vector<1x16xf32> to vector<16xf32>
      %parallel_loop3A_208 = vector.shape_cast %parallel_loop3A_202 : vector<16xf32> to vector<1x16xf32>
      tpu.vector_store %arg5[%parallel_loop3A_204, %parallel_loop3A_205], %parallel_loop3A_208 {strides = array<i32>} : memref<8x1024xf32, #tpu.memory_space<vmem>>, vector<1x16xf32>,
      %parallel_loop3A_209 = arith.constant 2 : i32
      %parallel_loop3A_210 = vector.broadcast %parallel_loop3A_209 : i32 to vector<16xi32>
      %parallel_loop3A_211 = arith.cmpi eq, %parallel_loop3A_175, %parallel_loop3A_210 : vector<16xi32>
      %parallel_loop3A_212 = arith.select %parallel_loop3A_211, %parallel_loop3A_184, %parallel_loop3A_186 : vector<16xi1>, vector<16xf32>
      %parallel_loop3A_213 = arith.select %parallel_loop3A_95, %parallel_loop3A_183, %parallel_loop3A_212 : vector<16xi1>, vector<16xf32>
      %parallel_loop3A_214 = arith.constant 2 : i32
      %parallel_loop3A_215 = arith.index_cast %parallel_loop3A_214 : i32 to index
      %parallel_loop3A_216 = arith.index_cast %parallel_loop3A_5 : i32 to index
      %parallel_loop3A_217 = tpu.vector_load %arg5[%parallel_loop3A_215, %parallel_loop3A_216] {strides = array<i32>} : memref<8x1024xf32, #tpu.memory_space<vmem>>, vector<1x16xf32>,
      %parallel_loop3A_218 = vector.shape_cast %parallel_loop3A_217 : vector<1x16xf32> to vector<16xf32>
      %parallel_loop3A_219 = vector.shape_cast %parallel_loop3A_213 : vector<16xf32> to vector<1x16xf32>
      tpu.vector_store %arg5[%parallel_loop3A_215, %parallel_loop3A_216], %parallel_loop3A_219 {strides = array<i32>} : memref<8x1024xf32, #tpu.memory_space<vmem>>, vector<1x16xf32>,
      %parallel_loop3A_220 = arith.constant 3 : i32
      %parallel_loop3A_221 = vector.broadcast %parallel_loop3A_220 : i32 to vector<16xi32>
      %parallel_loop3A_222 = arith.cmpi eq, %parallel_loop3A_175, %parallel_loop3A_221 : vector<16xi32>
      %parallel_loop3A_223 = arith.select %parallel_loop3A_222, %parallel_loop3A_184, %parallel_loop3A_186 : vector<16xi1>, vector<16xf32>
      %parallel_loop3A_224 = arith.select %parallel_loop3A_98, %parallel_loop3A_183, %parallel_loop3A_223 : vector<16xi1>, vector<16xf32>
      %parallel_loop3A_225 = arith.constant 3 : i32
      %parallel_loop3A_226 = arith.index_cast %parallel_loop3A_225 : i32 to index
      %parallel_loop3A_227 = arith.index_cast %parallel_loop3A_5 : i32 to index
      %parallel_loop3A_228 = tpu.vector_load %arg5[%parallel_loop3A_226, %parallel_loop3A_227] {strides = array<i32>} : memref<8x1024xf32, #tpu.memory_space<vmem>>, vector<1x16xf32>,
      %parallel_loop3A_229 = vector.shape_cast %parallel_loop3A_228 : vector<1x16xf32> to vector<16xf32>
      %parallel_loop3A_230 = vector.shape_cast %parallel_loop3A_224 : vector<16xf32> to vector<1x16xf32>
      tpu.vector_store %arg5[%parallel_loop3A_226, %parallel_loop3A_227], %parallel_loop3A_230 {strides = array<i32>} : memref<8x1024xf32, #tpu.memory_space<vmem>>, vector<1x16xf32>,
      %parallel_loop3A_231 = arith.constant 4 : i32
      %parallel_loop3A_232 = vector.broadcast %parallel_loop3A_231 : i32 to vector<16xi32>
      %parallel_loop3A_233 = arith.cmpi eq, %parallel_loop3A_175, %parallel_loop3A_232 : vector<16xi32>
      %parallel_loop3A_234 = arith.select %parallel_loop3A_233, %parallel_loop3A_184, %parallel_loop3A_186 : vector<16xi1>, vector<16xf32>
      %parallel_loop3A_235 = arith.select %parallel_loop3A_101, %parallel_loop3A_183, %parallel_loop3A_234 : vector<16xi1>, vector<16xf32>
      %parallel_loop3A_236 = arith.constant 4 : i32
      %parallel_loop3A_237 = arith.index_cast %parallel_loop3A_236 : i32 to index
      %parallel_loop3A_238 = arith.index_cast %parallel_loop3A_5 : i32 to index
      %parallel_loop3A_239 = tpu.vector_load %arg5[%parallel_loop3A_237, %parallel_loop3A_238] {strides = array<i32>} : memref<8x1024xf32, #tpu.memory_space<vmem>>, vector<1x16xf32>,
      %parallel_loop3A_240 = vector.shape_cast %parallel_loop3A_239 : vector<1x16xf32> to vector<16xf32>
      %parallel_loop3A_241 = vector.shape_cast %parallel_loop3A_235 : vector<16xf32> to vector<1x16xf32>
      tpu.vector_store %arg5[%parallel_loop3A_237, %parallel_loop3A_238], %parallel_loop3A_241 {strides = array<i32>} : memref<8x1024xf32, #tpu.memory_space<vmem>>, vector<1x16xf32>,
      %parallel_loop3A_242 = arith.constant 5 : i32
      %parallel_loop3A_243 = vector.broadcast %parallel_loop3A_242 : i32 to vector<16xi32>
      %parallel_loop3A_244 = arith.cmpi eq, %parallel_loop3A_175, %parallel_loop3A_243 : vector<16xi32>
      %parallel_loop3A_245 = arith.select %parallel_loop3A_244, %parallel_loop3A_184, %parallel_loop3A_186 : vector<16xi1>, vector<16xf32>
      %parallel_loop3A_246 = arith.select %parallel_loop3A_104, %parallel_loop3A_183, %parallel_loop3A_245 : vector<16xi1>, vector<16xf32>
      %parallel_loop3A_247 = arith.constant 5 : i32
      %parallel_loop3A_248 = arith.index_cast %parallel_loop3A_247 : i32 to index
      %parallel_loop3A_249 = arith.index_cast %parallel_loop3A_5 : i32 to index
      %parallel_loop3A_250 = tpu.vector_load %arg5[%parallel_loop3A_248, %parallel_loop3A_249] {strides = array<i32>} : memref<8x1024xf32, #tpu.memory_space<vmem>>, vector<1x16xf32>,
      %parallel_loop3A_251 = vector.shape_cast %parallel_loop3A_250 : vector<1x16xf32> to vector<16xf32>
      %parallel_loop3A_252 = vector.shape_cast %parallel_loop3A_246 : vector<16xf32> to vector<1x16xf32>
      tpu.vector_store %arg5[%parallel_loop3A_248, %parallel_loop3A_249], %parallel_loop3A_252 {strides = array<i32>} : memref<8x1024xf32, #tpu.memory_space<vmem>>, vector<1x16xf32>,
      %parallel_loop3A_253 = arith.constant 6 : i32
      %parallel_loop3A_254 = vector.broadcast %parallel_loop3A_253 : i32 to vector<16xi32>
      %parallel_loop3A_255 = arith.cmpi eq, %parallel_loop3A_175, %parallel_loop3A_254 : vector<16xi32>
      %parallel_loop3A_256 = arith.select %parallel_loop3A_255, %parallel_loop3A_184, %parallel_loop3A_186 : vector<16xi1>, vector<16xf32>
      %parallel_loop3A_257 = arith.select %parallel_loop3A_107, %parallel_loop3A_183, %parallel_loop3A_256 : vector<16xi1>, vector<16xf32>
      %parallel_loop3A_258 = arith.constant 6 : i32
      %parallel_loop3A_259 = arith.index_cast %parallel_loop3A_258 : i32 to index
      %parallel_loop3A_260 = arith.index_cast %parallel_loop3A_5 : i32 to index
      %parallel_loop3A_261 = tpu.vector_load %arg5[%parallel_loop3A_259, %parallel_loop3A_260] {strides = array<i32>} : memref<8x1024xf32, #tpu.memory_space<vmem>>, vector<1x16xf32>,
      %parallel_loop3A_262 = vector.shape_cast %parallel_loop3A_261 : vector<1x16xf32> to vector<16xf32>
      %parallel_loop3A_263 = vector.shape_cast %parallel_loop3A_257 : vector<16xf32> to vector<1x16xf32>
      tpu.vector_store %arg5[%parallel_loop3A_259, %parallel_loop3A_260], %parallel_loop3A_263 {strides = array<i32>} : memref<8x1024xf32, #tpu.memory_space<vmem>>, vector<1x16xf32>,
      %parallel_loop3A_264 = arith.constant 7 : i32
      %parallel_loop3A_265 = vector.broadcast %parallel_loop3A_264 : i32 to vector<16xi32>
      %parallel_loop3A_266 = arith.cmpi eq, %parallel_loop3A_175, %parallel_loop3A_265 : vector<16xi32>
      %parallel_loop3A_267 = arith.select %parallel_loop3A_266, %parallel_loop3A_184, %parallel_loop3A_186 : vector<16xi1>, vector<16xf32>
      %parallel_loop3A_268 = arith.select %parallel_loop3A_110, %parallel_loop3A_183, %parallel_loop3A_267 : vector<16xi1>, vector<16xf32>
      %parallel_loop3A_269 = arith.constant 7 : i32
      %parallel_loop3A_270 = arith.index_cast %parallel_loop3A_269 : i32 to index
      %parallel_loop3A_271 = arith.index_cast %parallel_loop3A_5 : i32 to index
      %parallel_loop3A_272 = tpu.vector_load %arg5[%parallel_loop3A_270, %parallel_loop3A_271] {strides = array<i32>} : memref<8x1024xf32, #tpu.memory_space<vmem>>, vector<1x16xf32>,
      %parallel_loop3A_273 = vector.shape_cast %parallel_loop3A_272 : vector<1x16xf32> to vector<16xf32>
      %parallel_loop3A_274 = vector.shape_cast %parallel_loop3A_268 : vector<16xf32> to vector<1x16xf32>
      tpu.vector_store %arg5[%parallel_loop3A_270, %parallel_loop3A_271], %parallel_loop3A_274 {strides = array<i32>} : memref<8x1024xf32, #tpu.memory_space<vmem>>, vector<1x16xf32>,
    } {sc.loop_unroll_factor = 4 : i64, sc.parallel_access}
    "tpu.region"() ({
      %run_scoped3A = tpu.sem_alloc : memref<!tpu.dma_semaphore, #tpu.memory_space<semaphore_mem>>
      %dma_start3A = arith.constant 0 : i32
      %dma_start3A_5 = tpu.memref_slice %arg3[%dma_start3A, %mul3A_2] : memref<8x32768xf32, #tpu.memory_space<hbm>> -> memref<8x1024xf32, #tpu.memory_space<hbm>>
      %dma_start3A_6 = arith.constant 0 : i32
      %dma_start3A_7 = tpu.memref_slice %arg3[%dma_start3A_6, %mul3A_2] : memref<8x32768xf32, #tpu.memory_space<hbm>> -> memref<8x1024xf32, #tpu.memory_space<hbm>>
      tpu.enqueue_dma source(%arg5 : memref<8x1024xf32, #tpu.memory_space<vmem>>) target(%dma_start3A_7 : memref<8x1024xf32, #tpu.memory_space<hbm>>) target_semaphore(%run_scoped3A : memref<!tpu.dma_semaphore, #tpu.memory_space<semaphore_mem>>)
      %dma_wait3A = arith.constant 0 : i32
      %dma_wait3A_8 = tpu.memref_slice %arg3[%dma_wait3A, %mul3A_2] : memref<8x32768xf32, #tpu.memory_space<hbm>> -> memref<8x1024xf32, #tpu.memory_space<hbm>>
      %dma_wait3A_9 = arith.constant 0 : i32
      %dma_wait3A_10 = tpu.memref_slice %arg3[%dma_wait3A_9, %mul3A_2] : memref<8x32768xf32, #tpu.memory_space<hbm>> -> memref<8x1024xf32, #tpu.memory_space<hbm>>
      tpu.wait_dma2 semaphore(%run_scoped3A : memref<!tpu.dma_semaphore, #tpu.memory_space<semaphore_mem>>) src(%arg5 : memref<8x1024xf32, #tpu.memory_space<vmem>>) dst(%dma_wait3A_10 : memref<8x1024xf32, #tpu.memory_space<hbm>>)
      tpu.yield
    }) : () -> ()
    return
  }
}

module attributes {stable_mosaic.version = 14 : i64} {
  func.func @_h_body(%arg0: i32, %arg1: memref<4096x768xf32, #tpu.memory_space<vmem>>, %arg2: memref<8x768xf32, #tpu.memory_space<vmem>>, %arg3: memref<8x1xf32, #tpu.memory_space<vmem>>, %arg4: memref<8x768xf32, #tpu.memory_space<vmem>>, %arg5: memref<8x1xf32, #tpu.memory_space<vmem>>, %arg6: memref<4096x8xf32, #tpu.memory_space<vmem>>, %arg7: memref<8x4096xf32, #tpu.memory_space<vmem>>) attributes {dimension_semantics = [#tpu.dimension_semantics<arbitrary>], iteration_bounds = array<i64: 8>, scalar_prefetch = 0 : i64, scratch_operands = 0 : i64, tpu.core_type = #tpu.core_type<tc>, window_params = [{transform_indices = @transform_0, window_bounds = array<i64: 4096, 768>}, {pipeline_mode = #tpu.pipeline_mode<synchronous>, transform_indices = @transform_1, window_bounds = array<i64: 8, 768>}, {pipeline_mode = #tpu.pipeline_mode<synchronous>, transform_indices = @transform_2, window_bounds = array<i64: 8, 1>}, {pipeline_mode = #tpu.pipeline_mode<synchronous>, transform_indices = @transform_3, window_bounds = array<i64: 8, 768>}, {pipeline_mode = #tpu.pipeline_mode<synchronous>, transform_indices = @transform_4, window_bounds = array<i64: 8, 1>}, {transform_indices = @transform_5, window_bounds = array<i64: 4096, 8>}, {transform_indices = @transform_6, window_bounds = array<i64: 8, 4096>}]} {
    %get3A = arith.constant 0 : index
    %get3A_0 = arith.constant 0 : index
    %get3A_1 = vector.load %arg1[%get3A, %get3A_0] : memref<4096x768xf32, #tpu.memory_space<vmem>>, vector<4096x768xf32>
    %get3A_2 = arith.constant 0 : index
    %get3A_3 = arith.constant 0 : index
    %get3A_4 = vector.load %arg2[%get3A_2, %get3A_3] : memref<8x768xf32, #tpu.memory_space<vmem>>, vector<8x768xf32>
    %dot_general3A = arith.constant dense<0.000000e+00> : vector<8x4096xf32>
    %dot_general3A_5 = tpu.matmul %get3A_4, %get3A_1, %dot_general3A {dimension_numbers = #tpu.dot_dimension_numbers<[1], [1], [0], [0], [0, 0, 1, 0], [], []>, transpose_lhs_hint = false} : vector<8x768xf32>, vector<4096x768xf32>, vector<8x4096xf32> -> vector<8x4096xf32>
    %get3A_6 = arith.constant 0 : index
    %get3A_7 = arith.constant 0 : index
    %get3A_8 = vector.load %arg3[%get3A_6, %get3A_7] : memref<8x1xf32, #tpu.memory_space<vmem>>, vector<8x1xf32>
    %add3A = vector.broadcast %get3A_8 : vector<8x1xf32> to vector<8x4096xf32>
    %add3A_9 = arith.addf %dot_general3A_5, %add3A : vector<8x4096xf32>
    %get3A_10 = arith.constant 0 : index
    %get3A_11 = arith.constant 0 : index
    %get3A_12 = vector.load %arg4[%get3A_10, %get3A_11] : memref<8x768xf32, #tpu.memory_space<vmem>>, vector<8x768xf32>
    %dot_general3A_13 = arith.constant dense<0.000000e+00> : vector<8x4096xf32>
    %dot_general3A_14 = tpu.matmul %get3A_12, %get3A_1, %dot_general3A_13 {dimension_numbers = #tpu.dot_dimension_numbers<[1], [1], [0], [0], [0, 0, 1, 0], [], []>, transpose_lhs_hint = false} : vector<8x768xf32>, vector<4096x768xf32>, vector<8x4096xf32> -> vector<8x4096xf32>
    %get3A_15 = arith.constant 0 : index
    %get3A_16 = arith.constant 0 : index
    %get3A_17 = vector.load %arg5[%get3A_15, %get3A_16] : memref<8x1xf32, #tpu.memory_space<vmem>>, vector<8x1xf32>
    %add3A_18 = vector.broadcast %get3A_17 : vector<8x1xf32> to vector<8x4096xf32>
    %add3A_19 = arith.addf %dot_general3A_14, %add3A_18 : vector<8x4096xf32>
    %get3A_20 = arith.constant 0 : index
    %get3A_21 = arith.constant 0 : index
    %get3A_22 = vector.load %arg6[%get3A_20, %get3A_21] : memref<4096x8xf32, #tpu.memory_space<vmem>>, vector<4096x8xf32>
    %transpose3A = tpu.transpose %get3A_22, [1, 0] : vector<4096x8xf32> -> vector<8x4096xf32>
    %custom_jvp_call3A = arith.constant 0.000000e+00 : f32
    %max3A = vector.broadcast %custom_jvp_call3A : f32 to vector<8x4096xf32>
    %max3A_23 = arith.maximumf %add3A_19, %max3A : vector<8x4096xf32>
    %sub3A = vector.broadcast %custom_jvp_call3A : f32 to vector<8x4096xf32>
    %sub3A_24 = arith.subf %add3A_19, %sub3A : vector<8x4096xf32>
    %ne3A = arith.cmpf one, %sub3A_24, %sub3A_24 : vector<8x4096xf32>
    %add3A_25 = vector.broadcast %custom_jvp_call3A : f32 to vector<8x4096xf32>
    %add3A_26 = arith.addf %add3A_19, %add3A_25 : vector<8x4096xf32>
    %abs3A = math.absf %sub3A_24 : vector<8x4096xf32>
    %neg3A = arith.constant 0.000000e+00 : f32
    %neg3A_27 = vector.broadcast %neg3A : f32 to vector<8x4096xf32>
    %neg3A_28 = arith.subf %neg3A_27, %abs3A : vector<8x4096xf32>
    %exp3A = math.exp %neg3A_28 : vector<8x4096xf32>
    %log1p3A = math.log1p %exp3A : vector<8x4096xf32>
    %add3A_29 = arith.addf %max3A_23, %log1p3A : vector<8x4096xf32>
    %select_n3A = arith.select %ne3A, %add3A_26, %add3A_29 : vector<8x4096xi1>, vector<8x4096xf32>
    %mul3A = arith.mulf %transpose3A, %select_n3A : vector<8x4096xf32>
    %add3A_30 = arith.addf %add3A_9, %mul3A : vector<8x4096xf32>
    %swap3A = arith.constant 0 : index
    %swap3A_31 = arith.constant 0 : index
    %swap3A_32 = vector.load %arg7[%swap3A, %swap3A_31] : memref<8x4096xf32, #tpu.memory_space<vmem>>, vector<8x4096xf32>
    tpu.vector_store %arg7[%swap3A, %swap3A_31], %add3A_30 {strides = array<i32>} : memref<8x4096xf32, #tpu.memory_space<vmem>>, vector<8x4096xf32>,
    return
  }
  func.func @transform_0(%arg0: i32) -> (i32, i32) {
    %c0_i32 = arith.constant 0 : i32
    %c0_i32_0 = arith.constant 0 : i32
    return %arg0, %c0_i32 : i32, i32
  }
  func.func @transform_1(%arg0: i32) -> (i32, i32) {
    %c0_i32 = arith.constant 0 : i32
    %c0_i32_0 = arith.constant 0 : i32
    %c0_i32_1 = arith.constant 0 : i32
    return %c0_i32, %c0_i32_0 : i32, i32
  }
  func.func @transform_2(%arg0: i32) -> (i32, i32) {
    %c0_i32 = arith.constant 0 : i32
    %c0_i32_0 = arith.constant 0 : i32
    %c0_i32_1 = arith.constant 0 : i32
    return %c0_i32, %c0_i32_0 : i32, i32
  }
  func.func @transform_3(%arg0: i32) -> (i32, i32) {
    %c0_i32 = arith.constant 0 : i32
    %c0_i32_0 = arith.constant 0 : i32
    %c0_i32_1 = arith.constant 0 : i32
    return %c0_i32, %c0_i32_0 : i32, i32
  }
  func.func @transform_4(%arg0: i32) -> (i32, i32) {
    %c0_i32 = arith.constant 0 : i32
    %c0_i32_0 = arith.constant 0 : i32
    %c0_i32_1 = arith.constant 0 : i32
    return %c0_i32, %c0_i32_0 : i32, i32
  }
  func.func @transform_5(%arg0: i32) -> (i32, i32) {
    %c0_i32 = arith.constant 0 : i32
    %c0_i32_0 = arith.constant 0 : i32
    return %arg0, %c0_i32 : i32, i32
  }
  func.func @transform_6(%arg0: i32) -> (i32, i32) {
    %c0_i32 = arith.constant 0 : i32
    %c0_i32_0 = arith.constant 0 : i32
    return %c0_i32, %arg0 : i32, i32
  }
}

</mosaic_0001>

<sc_bundles>
// kernel: kernel.4.cloned.1.call-start
scs
__scs_entry_jumppad:
0x0: {  	(pc) =	sbr.rel $0x88, $3  }
0x1: {  	(tag) =	ssettag $0x0;
	lr =	simm.s32 $0x1  }
0x2: {  	[smem:$0x3F9B] =	sst lr;
	_ =	strace $0xD0000000  }
0x3: {  	_ = 	snop  }
0x4: {  	_ = 	snop  }
0x5: {  	_ = 	snop  }
0x6: {  	_ = 	snop  }
0x7: {  	_ = 	snop  }
__scs_overlays_trampoline_lowered:
0x8: {  	[smem:$0x3FAA] =	sst s0  }
0x9: {  	[smem:$0x3FAB] =	sst s1  }
0xa: {  	[smem:$0x3FAC] =	sst s2  }
0xb: {  	[smem:$0x3FAD] =	sst s3  }
0xc: {  	[smem:$0x3FAE] =	sst s4  }
0xd: {  	[smem:$0x3FAF] =	sst s5  }
0xe: {  	[smem:$0x3FB0] =	sst s6  }
0xf: {  	[smem:$0x3FB1] =	sst s7  }
0x10: {  	[smem:$0x3FB2] =	sst s8  }
0x11: {  	[smem:$0x3FB3] =	sst s9;
	s0 =	simm.s32 @!p0 $0x0  }
0x12: {  	s1 =	sld [smem:$0x3F99];
	s0 =	simm.s32 @p0 $0x1  }
0x13: {  	[smem:$0x3FB4] =	sst s0;
	s0 =	simm.s32 @!p1 $0x0  }
0x14: {  	s2 =	sld [smem:$0x3F98];
	s0 =	simm.s32 @p1 $0x1  }
0x15: {  	[smem:$0x3FB5] =	sst s0;
	s0 =	simm.s32 @!p2 $0x0  }
0x16: {  	s3 =	sld [smem:$0x3FDB];
	s0 =	simm.s32 @p2 $0x1  }
0x17: {  	s4 =	simm.s32 $0x1BF5;
	[smem:$0x3FB7] =	sst s0  }
0x18: {  	s0 =	sld [smem:$0x3F9A];
	_ =	swait.ge [sflag:s4], $0x0  }
0x19: {  	s7 =	sld [smem:$0x3F9B]  }
0x1a: {  	s8 =	sadd.s32 $0xFFFFE003, lr  }
0x1b: {  	s9 =	sadd.s32 $0xFFFFFEF7, lr;
	s5 =	simm.s32 $0xFFFFFFFF;
	p2 =	slt.u32 s8, $0xFFFFF086  }
0x1c: {  	p1 =	slt.u32 s9, $0xF7A;
	s5 =	simm.s32 @!p2 $0x0  }
0x1d: {  	s5 =	simm.s32 @p1 $0x1;
	p0 =	seq.s32 s7, s2  }
0x1e: {  	s7 =	smul.u32 @!p0 $0xF7A, s2;
	p2 =	seq.s32 @!p0 s5, $0x0  }
0x1f: {  	s9 =	smul.u32 $0xF7A, s1;
	s8 =	simm.s32 @!p0 $0x1BF5;
	p2 =	por !p2, p0  }
0x20: {  	[sflag:s8] =	ssyncset.s32 @!p0 $0xFFFFF086;
	s6 =	sadd.s32 @!p0 s3, s7;
	s7 =	simm.s32 @!p0 $0x108  }
0x21: {  	s3 =	sadd.s32 s3, s9;
	s6 =	sadd.s32 @!p0 $0x88, s6;
	s7 =	simm.s32 @p2 $0x1082  }
0x22: {  	[simem:s7], [sflag:s8] =	dma.local @!p0 [hbm:s6], $0xF7A  }
0x23: {  	s9 =	sor.u32 $0xD0000000, s2;
	s6 =	simm.s32 $0x108;
	_ =	swait.ge @!p0 [sflag:s8], $0x0  }
0x24: {  	s3 =	sadd.s32 $0x88, s3;
	s6 =	simm.s32 @!p1 $0x1082;
	[sflag:s4] =	ssyncset.s32 $0xFFFFF086  }
0x25: {  	[simem:s6], [sflag:s4] =	dma.local [hbm:s3], $0xF7A  }
0x26: {  	[smem:$0x3F9B] =	sst s1;
	(tag) =	ssettag s2;
	_ =	strace s9  }
0x27: {  	s1 =	sld [smem:$0x3FAB]  }
0x28: {  	s2 =	sld [smem:$0x3FAC]  }
0x29: {  	s4 =	sld [smem:$0x3FAE]  }
0x2a: {  	p0 =	seq.s32 s5, $0x0;
	s5 =	sld [smem:$0x3FAF]  }
0x2b: {  	s6 =	sld [smem:$0x3FB0]  }
0x2c: {  	s7 =	sld [smem:$0x3FB1]  }
0x2d: {  	s3 =	simm.s32 $0x108;
	s8 =	sld [smem:$0x3FB2]  }
0x2e: {  	s3 =	simm.s32 @!p0 $0x1082;
	s9 =	sld [smem:$0x3FB3]  }
0x2f: {  	lr =	sadd.s32 s0, s3;
	s0 =	sld [smem:$0x3FAA]  }
0x30: {  	s3 =	sld [smem:$0x3FAD]  }
0x31: {  	[smem:$0x3FB6] =	sst s10  }
0x32: {  	s10 =	sld [smem:$0x3FB4];
	_ =	sdelay $0x3  }
0x33: {  	p0 =	seq.s32 s10, $0x1;
	s10 =	sld [smem:$0x3FB6];
	_ =	sdelay $0x3  }
0x34: {  	[smem:$0x3FB6] =	sst s10  }
0x35: {  	s10 =	sld [smem:$0x3FB5];
	_ =	sdelay $0x3  }
0x36: {  	p1 =	seq.s32 s10, $0x1;
	s10 =	sld [smem:$0x3FB6];
	_ =	sdelay $0x3  }
0x37: {  	[smem:$0x3FB6] =	sst s10  }
0x38: {  	s10 =	sld [smem:$0x3FB7]  }
0x39: {  	_ = 	snop;
	(pc) =	sbr.ind lr, $3  }
0x3a: {  	_ = 	snop  }
0x3b: {  	_ = 	snop  }
0x3c: {  	p2 =	seq.s32 s10, $0x1;
	s10 =	sld [smem:$0x3FB6]  }
0x3d: {  	_ =	shalt  }
0x3e: {  	_ =	shalt  }
0x3f: {  	_ =	shalt  }
0x40: {  	_ =	shalt  }
0x41: {  	_ =	shalt  }
0x42: {  	_ =	shalt  }
0x43: {  	_ =	shalt  }
0x44: {  	_ =	shalt  }
0x45: {  	_ =	shalt  }
0x46: {  	_ =	shalt  }
0x47: {  	_ =	shalt  }
0x48: {  	_ =	shalt  }
0x49: {  	_ =	shalt  }
0x4a: {  	_ =	shalt  }
0x4b: {  	_ =	shalt  }
0x4c: {  	_ =	shalt  }
0x4d: {  	_ =	shalt  }
0x4e: {  	_ =	shalt  }
0x4f: {  	_ =	shalt  }
0x50: {  	_ =	shalt  }
0x51: {  	_ =	shalt  }
0x52: {  	_ =	shalt  }
0x53: {  	_ =	shalt  }
0x54: {  	_ =	shalt  }
0x55: {  	_ =	shalt  }
0x56: {  	_ =	shalt  }
0x57: {  	_ =	shalt  }
0x58: {  	_ =	shalt  }
0x59: {  	_ =	shalt  }
0x5a: {  	_ =	shalt  }
0x5b: {  	_ =	shalt  }
0x5c: {  	_ =	shalt  }
0x5d: {  	_ =	shalt  }
0x5e: {  	_ =	shalt  }
0x5f: {  	_ =	shalt  }
0x60: {  	_ =	shalt  }
0x61: {  	_ =	shalt  }
0x62: {  	_ =	shalt  }
0x63: {  	_ =	shalt  }
0x64: {  	_ =	shalt  }
0x65: {  	_ =	shalt  }
0x66: {  	_ =	shalt  }
0x67: {  	_ =	shalt  }
0x68: {  	_ =	shalt  }
0x69: {  	_ =	shalt  }
0x6a: {  	_ =	shalt  }
0x6b: {  	_ =	shalt  }
0x6c: {  	_ =	shalt  }
0x6d: {  	_ =	shalt  }
0x6e: {  	_ =	shalt  }
0x6f: {  	_ =	shalt  }
0x70: {  	_ =	shalt  }
0x71: {  	_ =	shalt  }
0x72: {  	_ =	shalt  }
0x73: {  	_ =	shalt  }
0x74: {  	_ =	shalt  }
0x75: {  	_ =	shalt  }
0x76: {  	_ =	shalt  }
0x77: {  	_ =	shalt  }
0x78: {  	_ =	shalt  }
0x79: {  	_ =	shalt  }
0x7a: {  	_ =	shalt  }
0x7b: {  	_ =	shalt  }
0x7c: {  	_ =	shalt  }
0x7d: {  	_ =	shalt  }
0x7e: {  	_ =	shalt  }
0x7f: {  	_ =	shalt  }
0x80: {  	_ =	shalt  }
0x81: {  	_ =	shalt  }
0x82: {  	_ =	shalt  }
0x83: {  	_ =	shalt  }
0x84: {  	_ =	shalt  }
0x85: {  	_ =	shalt  }
0x86: {  	_ =	shalt  }
0x87: {  	_ =	shalt  }
.Lfunc_end0:
.L_simem_size_0:
called_computation_lowered:
.L_overlay_start_0:
0x88: {  	s2 =	sld [smem:$0x3FD9]  }
0x89: {  	s3 =	sld [smem:$0x3FFE];
	_ =	sdelay $0x1  }
0x8a: {  	s1 =	srdreg.scid  }
0x8b: {  	s0 =	sand.u32 $0x1, s1  }
0x8c: {  	s17 =	sshll.u32 s0, $0xA;
	s2 =	sadd.s32 s3, s2  }
0x8d: {  	s2 =	sadd.s32 s2, s17  }
0x8e: {  	[smem:$0x3FC2] =	sst s2  }
0x8f: {  	_ = 	snop  }
0x90: {  	s2 =	sld [smem:$0x3FD0];
	(tm) =	ssettm $0x1  }
0x91: {  	s18 =	sld [smem:$0x3FFB];
	_ =	sdelay $0x3  }
0x92: {  	_ =	strace s18  }
0x93: {  	s3 =	sld [smem:$0x3FFC];
	_ =	sdelay $0x3  }
0x94: {  	_ =	strace s3  }
0x95: {  	s3 =	sld [smem:$0x3FFD];
	_ =	sdelay $0x3  }
0x96: {  	_ =	strace s3  }
0x97: {  	_ =	strace $0x8FFFFFFF  }
0x98: {  	s19 =	sld [smem:$0x3FDB];
	_ =	sdelay $0x1  }
0x99: {  	s4 =	simm.s32 $_scs_section_size  }
0x9a: {  	s5 =	simm.s32 $_size__tile_overlayer_lowered;
	s6 =	simm.s32 $_tile_overlayer_lowered  }
0x9b: {  	s22 =	simm.s32 $0x1BFF;
	s21 =	sshll.u32 s6, $0x1;
	s3 =	sadd.s32 s4, s19  }
0x9c: {  	s7 =	simm.s32 $0x0;
	s20 =	sshll.u32 s5, $0x1;
	s5 =	sadd.s32 s21, s3  }
0x9d: {  	[timem:s7], [sflag:s22] =	dma.local [hbm:s5], s20  }
0x9e: {  	_ =	swait.ge [sflag:s22], s20  }
0x9f: {  	s4 =	ssub.s32 $0x0, s20;
	[sflag:s22] =	ssyncset.done $0x0  }
0xa0: {  	[sflag:s22] =	ssyncadd.s32 s4;
	_ =	sdelay $0x1  }
0xa1: {  	s23 =	simm.s32 $0x1B8B  }
0xa2: {  	_ =	swait.ge [sflag:s23], $0x1  }
0xa3: {  	[sflag:s23] =	ssyncset.done $0x0  }
0xa4: {  	s25 =	simm.s32 $0x1B8E;
	s24 =	sld [smem:$0x3FFE];
	[sflag:s23] =	ssyncadd.s32 $0xFFFFFFFF  }
0xa5: {  	s26 =	simm.s32 $execute0_lowered;
	[smem:$0x3FD2] =	sst s25  }
0xa6: {  	s5 =	sshll.u32 s26, $0x1;
	_ =	strace $0x80000046;
	[dreg:$0x1] =	wrdreg $0xFFFFFFFF  }
0xa7: {  	s28 =	simm.s32 $_size_execute0_lowered;
	s3 =	sadd.s32 s3, s5;
	[dreg:$0x0] =	wrdreg $0x0  }
0xa8: {  	s5 =	sshll.u32 s28, $0x1;
	[dreg:$0x2] =	wrdreg s3  }
0xa9: {  	[dreg:$0x3] =	wrdreg s5  }
0xaa: {  	[dreg:$0x4] =	wrdreg $0xC0  }
0xab: {  	_ =	task [dreg:s7], $0x5FFFF  }
0xac: {  	[dreg:$0x1] =	wrdreg $0xFFFFFFFF  }
0xad: {  	[dreg:$0x0] =	wrdreg $0x60  }
0xae: {  	[dreg:$0x2] =	wrdreg s24  }
0xaf: {  	[dreg:$0x3] =	wrdreg s2  }
0xb0: {  	[dreg:$0x4] =	wrdreg $0x9  }
0xb1: {  	_ =	task.clear_ibuf [dreg:s7], $0x5FFFF;
	_ =	strace $0x90000046  }
0xb2: {  	s29 =	simm.s32 $0x9;
	_ =	strace $0x80000048  }
0xb3: {  	_ =	swait.ge [sflag:s29], $0x1  }
0xb4: {  	[sflag:s29] =	ssyncadd.s32 $0xFFFFFFFF  }
0xb5: {  	_ =	strace $0x90000048  }
0xb6: {  	_ =	sfence  }
0xb7: {  	s30 =	sld [smem:$0x0];
	_ =	sdelay $0x2  }
0xb8: {  	s31 =	sshll.u32 s1, $0xD;
	s1 =	sshrl.u32 s1, $0x2  }
0xb9: {  	s3 =	sand.u32 $0x4000, s31;
	s1 =	sadd.s32 s1, s30  }
0xba: {  	s0 =	sor.u32 s3, s0;
	s1 =	sshll.u32 s1, $0x11  }
0xbb: {  	s0 =	sor.u32 s1, s0  }
0xbc: {  	s0 =	sadd.s32 $0x8F2B, s0  }
0xbd: {  	[sflag:s0] =	ssyncadd.remote.s32 $0x1  }
0xbe: {  	_ =	sfence.sel $0xFFFF  }
0xbf: {  	[dreg:$0x0] =	wrdreg $0xFFFFFFFF;
	(pc) =	sbr.abs _section_cstart, $3  }
0xc0: {  	[dreg:$0x1] =	wrdreg $0xFFFFFFFF  }
0xc1: {  	_ =	task.clear_ibuf [dreg:s7], $0x2FFFF;
	_ =	strace $0x9FFFFFFF  }
0xc2: {  	(tm) =	ssettm $0x7FFFFFFF  }
0xc3: {  	_ =	shalt  }
tec
execute0_lowered:
.L_overlay_start_1:
0x0: {  	(tag) =	ssettag $0x1  }
0x1: {  	s0 =	rddreg [dreg:$0x0]  }
0x2: {  	s1 =	rddreg [dreg:$0x1];
	s2 =	srdreg.scid  }
0x3: {  	s5 =	simm.s32 $0x0;
	s3 =	stileid.u32;
	s2 =	sand.u32 $0x1, s2  }
0x4: {  	s3 =	sshll.u32 s3, $0xB;
	[smem:$0x7FF] =	sst s5;
	s4 =	sshll.u32 s2, $0xA  }
0x5: {  	s2 =	ssub.s32 $0x2, s2;
	_ =	strace $0x80000047;
	s3 =	sor.u32 s4, s3  }
0x6: {  	s29 =	sshrl.u32 s2, $0x1;
	s0 =	sadd.s32 s3, s0;
	s30 =	sadd.s32 s1, s3  }
0x7: {  	s2 =	ssub.s32 s2, s29;
	s0 =	sadd.s32 $0xA00, s0;
	[dreg:$0x8] =	wrdreg s30  }
0x8: {  	s31 =	smax.u32 s2, $0x1;
	[dreg:$0x7] =	wrdreg s0  }
0x9: {  	v0 =	vimm.s32 $0x8;
	s3 =	simm.s32 $0x1;
	s1 =	simm.s32 $0x0;
	[dreg:$0x9] =	wrdreg s31  }
.LBB2_1:
0xa: {  	[dreg:$0xa] =	wrdreg s1  }
0xb: {  	s0 =	rddreg [dreg:$0x7]  }
0xc: {  	[tilespmem:s5], [sflag:$0x1] =	stream.linear.gather [hbm4b:s0+s5], $0x2000, $0x38;
	[tilespmem:$0x4000] =	vst v63  }
0xd: {  	p0 =	por $0x0, $0x0;
	s11 =	simm.s32 $0x0;
	_ =	swait.ge [sflag:s3], $0x2000  }
0xe: {  	s25 =	sand.u32 $0x1C00, s5;
	s24 =	sand.u32 $0x40, s11;
	[sflag:s3] =	ssyncset.done $0x0  }
0xf: {  	s2 =	simm.s32 $0x1;
	s9 =	sor.u32 s24, s25;
	[sflag:s3] =	ssyncadd.s32 $0xFFFFE000  }
0x10: {  	s2 =	simm.s32 @!p0 $0x0;
	v14 =	vld [tilespmem:s9+$0x30]  }
0x11: {  	s26 =	sshll.u32 s2, $0x6;
	v16 =	vld [tilespmem:s9+$0xB0]  }
0x12: {  	s0 =	sadd.s32 $0x0, s26;
	v17 =	vld [tilespmem:s9+$0x130]  }
0x13: {  	s28 =	sadd.s32 $0x30, s0;
	v18 =	vld [tilespmem:s9+$0x1B0]  }
0x14: {  	s26 =	sor.u32 $0x200, s28;
	v4 =	vld [tilespmem:s9+$0x80]  }
0x15: {  	s25 =	sor.u32 $0x280, s28;
	v20 =	vld [tilespmem:s26+$0x0]  }
0x16: {  	s24 =	sor.u32 $0x300, s28;
	v22 =	vld [tilespmem:s25+$0x0]  }
0x17: {  	s23 =	sor.u32 $0x380, s28;
	v23 =	vld [tilespmem:s24+$0x0];
	v1 =	vmax.f32 v14, v16  }
0x18: {  	v24 =	vld [tilespmem:s23+$0x0];
	v2 =	vmax.f32 v1, v17  }
0x19: {  	v5 =	vld [tilespmem:s9+$0x90];
	v2 =	vmax.f32 v2, v18  }
0x1a: {  	v9 =	vld [tilespmem:s9+$0x100];
	v3 =	vmax.f32 v2, v20  }
0x1b: {  	v1 =	vld [tilespmem:s9+$0x0];
	v3 =	vmax.f32 v3, v22  }
0x1c: {  	v7 =	vld [tilespmem:s9+$0x110];
	v6 =	vmax.f32 v3, v23  }
0x1d: {  	v44 =	vimm.s32 $0x0;
	v48 =	vimm.s32 $0x0;
	v11 =	vld [tilespmem:s9+$0x120];
	v26 =	vmax.f32 v6, v24  }
0x1e: {  	v49 =	vimm.s32 $0x0;
	v50 =	vimm.s32 $0x0;
	v2 =	vld [tilespmem:s9+$0x10];
	vm0 =	veq.f32 v24, v26  }
0x1f: {  	v51 =	vimm.s32 $0x0;
	v52 =	vld [tilespmem:s9+$0x190];
	v8 =	vsel vm0, $0x7, v0;
	vm0 =	veq.f32 v23, v26  }
0x20: {  	v13 =	vld [tilespmem:s9+$0x1A0];
	v15 =	vmax.f32 v1, v4;
	v8 =	vsel vm0, $0x6, v8;
	vm0 =	veq.f32 v22, v26  }
0x21: {  	s29 =	sadd.s32 $0x10, s0;
	v3 =	vld [tilespmem:s9+$0x20];
	vm2 =	vne.f32 v14, v26;
	v10 =	vsel vm0, $0x5, v8;
	vm0 =	veq.f32 v20, v26  }
0x22: {  	s30 =	sadd.s32 $0x20, s0;
	s15 =	sor.u32 $0x200, s29;
	v6 =	vld [tilespmem:s9+$0xA0];
	v28 =	vmax.f32 v15, v9;
	v12 =	vsel vm0, $0x4, v10;
	vm0 =	veq.f32 v18, v26  }
0x23: {  	s14 =	sor.u32 $0x200, s30;
	v53 =	vld [tilespmem:s15+$0x0];
	v25 =	vmax.f32 v2, v5;
	v12 =	vsel vm0, $0x3, v12;
	vm0 =	veq.f32 v17, v26  }
0x24: {  	s4 =	sor.u32 $0x200, s0;
	v15 =	vld [tilespmem:s14+$0x0];
	v56 =	vmax.f32 v25, v7;
	v19 =	vsel vm0, $0x2, v12;
	vm0 =	veq.f32 v16, v26  }
0x25: {  	v30 =	vnsel vm2, $0xFF800000, v14;
	v8 =	vld [tilespmem:s9+$0x180];
	[dreg:$0x3] =	wrdreg s4;
	v36 =	vmax.f32 v56, v52;
	v19 =	vsel vm0, $0x1, v19  }
0x26: {  	s16 =	sor.u32 $0x280, s30;
	v56 =	vimm.s32 $0x0;
	v54 =	vld [tilespmem:s4+$0x0];
	vm3 =	vmand vm2, vm0;
	v29 =	vnsel vm2, $0x0, v19  }
0x27: {  	s6 =	sor.u32 $0x280, s0;
	s17 =	sor.u32 $0x280, s29;
	v27 =	vmax.f32 v3, v6;
	v14 =	vld [tilespmem:s16+$0x0];
	v31 =	vsel vm3, $0xFF800000, v16;
	vm10 =	veq.s32 v29, $0x2  }
0x28: {  	v16 =	vld [tilespmem:s17+$0x0];
	[dreg:$0x4] =	wrdreg s6;
	vm13 =	veq.s32 v29, $0x3;
	v55 =	vmax.f32 v30, v31;
	v32 =	vsel vm10, $0xFF800000, v17  }
0x29: {  	s19 =	sor.u32 $0x300, s29;
	vm12 =	veq.s32 v29, $0x4;
	v21 =	vld [tilespmem:s6+$0x0];
	v33 =	vsel vm13, $0xFF800000, v18;
	v17 =	vmax.f32 v55, v32  }
0x2a: {  	s0 =	sor.u32 $0x300, s0;
	s13 =	sor.u32 $0x300, s30;
	v36 =	vmax.f32 v36, v53;
	v34 =	vsel vm12, $0xFF800000, v20;
	v18 =	vmax.f32 v17, v33;
	v17 =	vld [tilespmem:s19+$0x0]  }
0x2b: {  	v27 =	vmax.f32 v27, v11;
	vm11 =	veq.s32 v29, $0x5;
	v20 =	vmax.f32 v18, v34;
	v18 =	vld [tilespmem:s13+$0x0];
	[dreg:$0x5] =	wrdreg s0  }
0x2c: {  	s18 =	sor.u32 $0x380, s30;
	v27 =	vmax.f32 v27, v13;
	vm14 =	veq.s32 v29, $0x6;
	v35 =	vsel vm11, $0xFF800000, v22;
	v25 =	vld [tilespmem:s0+$0x0]  }
0x2d: {  	s31 =	sor.u32 s5, s11;
	s20 =	sor.u32 $0x380, s29;
	vm15 =	veq.s32 v29, $0x7;
	v23 =	vsel vm14, $0xFF800000, v23;
	v20 =	vmax.f32 v20, v35;
	v22 =	vld [tilespmem:s18+$0x0]  }
0x2e: {  	v28 =	vmax.f32 v28, v8;
	v24 =	vsel vm15, $0xFF800000, v24;
	s0 =	sor.u32 $0x380, s31;
	v57 =	vmax.f32 v20, v23;
	v20 =	vld [tilespmem:s20+$0x0]  }
0x2f: {  	v27 =	vmax.f32 v27, v15;
	v37 =	vmax.f32 v28, v54;
	[dreg:$0x6] =	wrdreg s0;
	v29 =	vmax.f32 v57, v24  }
0x30: {  	v27 =	vmax.f32 v27, v14;
	v55 =	vimm.s32 $0x0;
	v28 =	vld [tilespmem:s0+$0x0];
	v26 =	vsub.f32 v29, v26  }
0x31: {  	v36 =	vmax.f32 v36, v16;
	v37 =	vmax.f32 v37, v21;
	v57 =	vimm.s32 $0x0  }
0x32: {  	v58 =	vmax.f32 v36, v17;
	v27 =	vmax.f32 v27, v18;
	v38 =	vmul.f32 $1.442695020e+00, v26  }
0x33: {  	v59 =	vmax.f32 v37, v25;
	v27 =	vmax.f32 v27, v22;
	v26 =	vmax.f32 v58, v20  }
0x34: {  	vm6 =	vne.f32 v3, v27;
	v58 =	vimm.s32 $0x0;
	(erf) = vpow2.f32 v38  }
0x35: {  	vm0 =	veq.f32 v20, v26;
	vm1 =	veq.f32 v17, v26;
	v36 =	vmax.f32 v59, v28  }
0x36: {  	vm7 =	vne.f32 v2, v26;
	v3 =	vnsel vm6, $0xFF800000, v3;
	v60 =	vsel vm0, $0x7, v0  }
0x37: {  	vm0 =	veq.f32 v22, v27;
	vm4 =	veq.f32 v28, v36;
	vm5 =	veq.f32 v25, v36  }
0x38: {  	vm8 =	vne.f32 v1, v36;
	v61 =	vsel vm0, $0x7, v0;
	v39 =	vsel vm4, $0x7, v0  }
0x39: {  	v37 =	vsel vm1, $0x6, v60;
	vm0 =	veq.f32 v18, v27;
	vm1 =	veq.f32 v21, v36  }
0x3a: {  	vm4 =	veq.f32 v54, v36;
	v39 =	vsel vm5, $0x6, v39;
	v38 =	vsel vm0, $0x6, v61  }
0x3b: {  	vm0 =	veq.f32 v16, v26;
	vm5 =	veq.f32 v24, v29;
	v61 =	vimm.s32 $0x0  }
0x3c: {  	v39 =	vsel vm1, $0x5, v39;
	vm1 =	veq.f32 v14, v27;
	v37 =	vsel vm0, $0x5, v37  }
0x3d: {  	vm0 =	veq.f32 v53, v26;
	v24 =	vsel vm5, $0x7, v0;
	vm5 =	veq.f32 v23, v29  }
0x3e: {  	v38 =	vsel vm1, $0x5, v38;
	v39 =	vsel vm4, $0x4, v39;
	vm1 =	veq.f32 v15, v27  }
0x3f: {  	vm4 =	veq.f32 v8, v36;
	v37 =	vsel vm0, $0x4, v37;
	vm0 =	veq.f32 v52, v26  }
0x40: {  	v23 =	vsel vm5, $0x6, v24;
	vm5 =	veq.f32 v35, v29;
	v38 =	vsel vm1, $0x4, v38;
	v40 =	vpop (erf)  }
0x41: {  	vm1 =	veq.f32 v13, v27;
	v39 =	vsel vm4, $0x3, v39;
	v41 =	vadd.f32 $1.000000000e+00, v40  }
0x42: {  	v37 =	vsel vm0, $0x3, v37;
	vm0 =	veq.f32 v9, v36;
	vm4 =	veq.f32 v4, v36  }
0x43: {  	v23 =	vsel vm5, $0x5, v23;
	vm5 =	veq.f32 v34, v29;
	(erf) = vrcp.f32 v41  }
0x44: {  	v38 =	vsel vm1, $0x3, v38;
	vm1 =	veq.f32 v7, v26;
	v39 =	vsel vm0, $0x2, v39  }
0x45: {  	vm0 =	veq.f32 v5, v26;
	v23 =	vsel vm5, $0x4, v23;
	vm5 =	veq.f32 v33, v29  }
0x46: {  	vm9 =	vmand vm8, vm4;
	v37 =	vsel vm1, $0x2, v37;
	vm1 =	veq.f32 v11, v27  }
0x47: {  	v39 =	vsel vm4, $0x1, v39;
	v23 =	vsel vm5, $0x3, v23;
	vm5 =	veq.f32 v32, v29  }
0x48: {  	vm4 =	vne.f32 v30, v29;
	v30 =	vnsel vm8, $0xFF800000, v1;
	v1 =	vimm.s32 $0x0  }
0x49: {  	v38 =	vsel vm1, $0x2, v38;
	v37 =	vsel vm0, $0x1, v37;
	vm1 =	veq.f32 v6, v27  }
0x4a: {  	v62 =	vnsel vm8, $0x0, v39;
	v23 =	vsel vm5, $0x2, v23;
	vm5 =	veq.f32 v31, v29  }
0x4b: {  	v29 =	vsel vm9, $0xFFFFFFFF, v44;
	v38 =	vsel vm1, $0x1, v38;
	v63 =	vnsel vm7, $0x0, v37  }
0x4c: {  	v23 =	vsel vm5, $0x1, v23;
	[tilespmem:$0x1FE10] =	vst v29;
	v29 =	vsel vm9, $0xFF800000, v4;
	v4 =	vimm.s32 $0x0;
	v32 =	vpop (erf)  }
0x4d: {  	v33 =	vnsel vm6, $0x0, v38;
	v37 =	vnsel vm4, $0x0, v23;
	v31 =	vmul.f32 v32, v40  }
0x4e: {  	v4 =	vsel vm8, $0xFFFFFFFF, v4;
	v45 =	vmax.f32 v30, v29;
	v41 =	vimm.s32 $0x0  }
0x4f: {  	v42 =	vsel vm4, $0x0, v31;
	vm4 =	vmand vm4, vm5;
	vm5 =	vmmov vm6  }
0x50: {  	v24 =	vsel vm2, v42, v32;
	v43 =	vnsel vm4, $0x0, v31;
	vm2 =	veq.s32 v37, $0x2  }
0x51: {  	vm4 =	veq.s32 v62, $0x2;
	v23 =	vsel vm3, v32, v43;
	v38 =	vnsel vm2, $0x0, v31  }
0x52: {  	vm2 =	vmand vm7, vm0;
	vm0 =	vmand vm6, vm1;
	vm3 =	veq.s32 v63, $0x2  }
0x53: {  	[tilespmem:$0x1FE20] =	vst v4;
	vm1 =	veq.s32 v33, $0x2;
	v1 =	vsel vm2, $0xFFFFFFFF, v1;
	v5 =	vsel vm2, $0xFF800000, v5  }
0x54: {  	v4 =	vsel vm0, $0xFF800000, v6;
	v6 =	vsel vm4, $0xFF800000, v9;
	[tilespmem:$0x1FE30] =	vst v1;
	v1 =	vimm.s32 $0x0  }
0x55: {  	v43 =	vsel vm10, v32, v38;
	v9 =	vmax.f32 v45, v6;
	v1 =	vsel vm0, $0xFFFFFFFF, v1  }
0x56: {  	v47 =	vmax.f32 v3, v4;
	vm0 =	veq.s32 v62, $0x3;
	[tilespmem:$0x1FE40] =	vst v1;
	v1 =	vimm.s32 $0x0  }
0x57: {  	v40 =	vsel vm0, $0xFFFFFFFF, v48;
	v8 =	vsel vm0, $0xFF800000, v8;
	vm0 =	veq.s32 v63, $0x3  }
0x58: {  	v1 =	vsel vm4, $0xFFFFFFFF, v1;
	[tilespmem:$0x1FE90] =	vst v40;
	v40 =	vsel vm0, $0xFFFFFFFF, v49;
	v10 =	vsel vm0, $0xFF800000, v52  }
0x59: {  	vm0 =	veq.s32 v33, $0x3;
	v9 =	vmax.f32 v9, v8;
	[tilespmem:$0x1FE50] =	vst v1;
	v1 =	vimm.s32 $0x0  }
0x5a: {  	[tilespmem:$0x1FEA0] =	vst v40;
	v40 =	vsel vm0, $0xFFFFFFFF, v50;
	v13 =	vsel vm0, $0xFF800000, v13;
	vm0 =	veq.s32 v62, $0x4  }
0x5b: {  	v52 =	vimm.s32 $0x0;
	v1 =	vsel vm7, $0xFFFFFFFF, v1;
	[tilespmem:$0x1FEB0] =	vst v40;
	v40 =	vsel vm0, $0xFFFFFFFF, v51  }
0x5c: {  	v19 =	vsel vm0, $0xFF800000, v54;
	vm0 =	veq.s32 v63, $0x4;
	v54 =	vimm.s32 $0x0;
	[tilespmem:$0x1FE60] =	vst v1  }
0x5d: {  	v1 =	vnsel vm7, $0xFF800000, v2;
	v2 =	vimm.s32 $0x0;
	[tilespmem:$0x1FEC0] =	vst v40;
	v40 =	vsel vm0, $0xFFFFFFFF, v52  }
0x5e: {  	v12 =	vsel vm0, $0xFF800000, v53;
	vm0 =	veq.s32 v33, $0x4;
	v53 =	vimm.s32 $0x0  }
0x5f: {  	v9 =	vmax.f32 v9, v19;
	v2 =	vsel vm3, $0xFFFFFFFF, v2;
	v46 =	vmax.f32 v1, v5;
	[tilespmem:$0x1FED0] =	vst v40  }
0x60: {  	v40 =	vsel vm0, $0xFFFFFFFF, v53;
	v15 =	vsel vm0, $0xFF800000, v15;
	vm0 =	veq.s32 v62, $0x5;
	[tilespmem:$0x1FE70] =	vst v2  }
0x61: {  	v2 =	vsel vm3, $0xFF800000, v7;
	v7 =	vimm.s32 $0x0;
	[tilespmem:$0x1FEE0] =	vst v40;
	v40 =	vsel vm0, $0xFFFFFFFF, v54  }
0x62: {  	v21 =	vsel vm0, $0xFF800000, v21;
	vm0 =	veq.s32 v63, $0x5;
	v7 =	vsel vm1, $0xFFFFFFFF, v7  }
0x63: {  	[tilespmem:$0x1FEF0] =	vst v40;
	v40 =	vsel vm0, $0xFFFFFFFF, v55;
	v16 =	vsel vm0, $0xFF800000, v16;
	vm0 =	veq.s32 v62, $0x6  }
0x64: {  	v9 =	vmax.f32 v9, v21;
	[tilespmem:$0x1FE80] =	vst v7;
	v7 =	vsel vm1, $0xFF800000, v11;
	v11 =	vmax.f32 v46, v2  }
0x65: {  	[tilespmem:$0x1FF00] =	vst v40;
	v40 =	vsel vm0, $0xFFFFFFFF, v56;
	v25 =	vsel vm0, $0xFF800000, v25;
	vm0 =	veq.s32 v62, $0x7  }
0x66: {  	vm1 =	veq.s32 v63, $0x6;
	v62 =	vimm.s32 $0x0;
	v39 =	vmax.f32 v47, v7  }
0x67: {  	v11 =	vmax.f32 v11, v10;
	v9 =	vmax.f32 v9, v25;
	v35 =	vsel vm0, $0xFFFFFFFF, v57  }
0x68: {  	v28 =	vsel vm0, $0xFF800000, v28;
	vm0 =	veq.s32 v33, $0x5;
	v17 =	vsel vm1, $0xFF800000, v17  }
0x69: {  	[tilespmem:$0x1FF10] =	vst v40;
	v40 =	vimm.s32 $0x0;
	v39 =	vmax.f32 v39, v13;
	v11 =	vmax.f32 v11, v12  }
0x6a: {  	[tilespmem:$0x1FF20] =	vst v35;
	v35 =	vsel vm0, $0xFFFFFFFF, v58;
	v14 =	vsel vm0, $0xFF800000, v14;
	v9 =	vmax.f32 v9, v28  }
0x6b: {  	vm0 =	veq.s32 v33, $0x6;
	v39 =	vmax.f32 v39, v15;
	v11 =	vmax.f32 v11, v16  }
0x6c: {  	v59 =	vsub.f32 v9, v36;
	v18 =	vsel vm0, $0xFF800000, v18;
	v60 =	vmax.f32 v39, v14  }
0x6d: {  	[tilespmem:$0x1FF30] =	vst v35;
	v39 =	vsel vm1, $0xFFFFFFFF, v61;
	v11 =	vmax.f32 v11, v17;
	vm1 =	veq.s32 v37, $0x7  }
0x6e: {  	[tilespmem:$0x1FF40] =	vst v39;
	v39 =	vsel vm0, $0xFFFFFFFF, v62;
	v35 =	vmul.f32 $1.442695020e+00, v59;
	vm0 =	veq.s32 v63, $0x7  }
0x6f: {  	v36 =	vsel vm0, $0xFFFFFFFF, v40;
	v20 =	vsel vm0, $0xFF800000, v20;
	vm0 =	veq.s32 v33, $0x7  }
0x70: {  	v63 =	vmax.f32 v60, v18;
	v62 =	vimm.s32 $0x0;
	v33 =	vsel vm0, $0xFFFFFFFF, v41  }
0x71: {  	v22 =	vsel vm0, $0xFF800000, v22;
	v11 =	vmax.f32 v11, v20;
	(erf) = vpow2.f32 v35  }
0x72: {  	vm0 =	veq.s32 v37, $0x3;
	v42 =	vmax.f32 v63, v22;
	v26 =	vsub.f32 v11, v26  }
0x73: {  	v44 =	vnsel vm0, $0x0, v31;
	vm0 =	veq.s32 v37, $0x4;
	vm3 =	vne.f32 v1, v11  }
0x74: {  	v63 =	vimm.s32 $0x0;
	v27 =	vsub.f32 v42, v27;
	v35 =	vsel vm13, v32, v44  }
0x75: {  	v45 =	vnsel vm0, $0x0, v31;
	vm0 =	veq.s32 v37, $0x5;
	vm2 =	veq.f32 v18, v42  }
0x76: {  	[tilespmem:$0x1FF60] =	vst v36;
	v26 =	vmul.f32 $1.442695020e+00, v26;
	v36 =	vsel vm12, v32, v45;
	v46 =	vnsel vm0, $0x0, v31  }
0x77: {  	vm0 =	veq.s32 v37, $0x6;
	v27 =	vmul.f32 $1.442695020e+00, v27;
	v47 =	vsel vm11, v32, v46  }
0x78: {  	v48 =	vnsel vm0, $0x0, v31;
	v31 =	vnsel vm1, $0x0, v31;
	vm0 =	veq.f32 v28, v9  }
0x79: {  	vm1 =	veq.f32 v22, v42;
	vm11 =	vne.f32 v3, v42;
	(erf) = vpow2.f32 v26  }
0x7a: {  	v31 =	vsel vm15, v32, v31;
	v28 =	vsel vm0, $0x7, v0;
	vm0 =	veq.f32 v20, v11  }
0x7b: {  	v22 =	vsel vm1, $0x7, v0;
	vm1 =	veq.f32 v17, v11;
	(erf) = vpow2.f32 v27  }
0x7c: {  	v20 =	vsel vm0, $0x7, v0;
	vm0 =	veq.f32 v25, v9;
	v53 =	vsel vm2, $0x6, v22  }
0x7d: {  	v51 =	vsel vm0, $0x6, v28;
	v52 =	vsel vm1, $0x6, v20;
	vm0 =	veq.f32 v21, v9  }
0x7e: {  	vm1 =	veq.f32 v16, v11;
	v54 =	vsel vm0, $0x5, v51;
	vm0 =	veq.f32 v14, v42;
	v49 =	vpop (erf)  }
0x7f: {  	v14 =	vsel vm0, $0x5, v53;
	vm0 =	veq.f32 v19, v9;
	v50 =	vadd.f32 $1.000000000e+00, v49  }
0x80: {  	v55 =	vsel vm1, $0x5, v52;
	v16 =	vsel vm0, $0x4, v54;
	vm0 =	veq.f32 v12, v11  }
0x81: {  	v12 =	vsel vm0, $0x4, v55;
	vm0 =	veq.f32 v15, v42;
	(erf) = vrcp.f32 v50  }
0x82: {  	v27 =	vsel vm14, v32, v48;
	v14 =	vsel vm0, $0x4, v14;
	vm0 =	veq.f32 v8, v9  }
0x83: {  	vm1 =	veq.f32 v13, v42;
	v8 =	vsel vm0, $0x3, v16;
	vm0 =	veq.f32 v10, v11  }
0x84: {  	v60 =	vsel vm1, $0x3, v14;
	vm1 =	veq.f32 v7, v42;
	v10 =	vsel vm0, $0x3, v12  }
0x85: {  	v56 =	vpop (erf);
	vm0 =	veq.f32 v6, v9;
	v61 =	vsel vm1, $0x2, v60;
	vm1 =	vne.f32 v30, v9  }
0x86: {  	v57 =	vadd.f32 $1.000000000e+00, v56;
	v58 =	vpop (erf);
	v6 =	vsel vm0, $0x2, v8;
	vm0 =	veq.f32 v2, v11  }
0x87: {  	v59 =	vadd.f32 $1.000000000e+00, v58;
	v8 =	vsel vm0, $0x2, v10;
	vm0 =	veq.f32 v29, v9  }
0x88: {  	[tilespmem:$0x1FF50] =	vst v39;
	v6 =	vsel vm0, $0x1, v6;
	vm4 =	vmand vm1, vm0;
	vm0 =	veq.f32 v5, v11  }
0x89: {  	[tilespmem:$0x1FF70] =	vst v33;
	v9 =	vnsel vm1, $0x0, v6;
	v8 =	vsel vm0, $0x1, v8;
	vm15 =	vmand vm3, vm0  }
0x8a: {  	[tilespmem:s9+$0x2030] =	vst v24;
	v8 =	vnsel vm3, $0x0, v8;
	vm0 =	veq.s32 v9, $0x2;
	vm2 =	veq.s32 v9, $0x3;
	v2 =	vpop (erf)  }
0x8b: {  	[tilespmem:s9+$0x20B0] =	vst v23;
	vm14 =	veq.s32 v9, $0x4;
	vm13 =	veq.s32 v9, $0x5;
	v7 =	vmul.f32 v2, v49  }
0x8c: {  	[tilespmem:s9+$0x2130] =	vst v43;
	vm12 =	veq.s32 v9, $0x6;
	vm10 =	veq.s32 v9, $0x7;
	vm6 =	veq.s32 v8, $0x2  }
0x8d: {  	[tilespmem:s9+$0x21B0] =	vst v35;
	vm9 =	veq.s32 v8, $0x3;
	v5 =	vsel vm1, $0x0, v7;
	vm1 =	veq.f32 v4, v42  }
0x8e: {  	[tilespmem:s26+$0x2000] =	vst v36;
	v4 =	vsel vm1, $0x1, v61;
	vm7 =	vmand vm11, vm1;
	vm1 =	veq.s32 v8, $0x5  }
0x8f: {  	[tilespmem:s25+$0x2000] =	vst v47;
	vm8 =	veq.s32 v8, $0x4;
	v9 =	vsel vm1, $0xFFFFFFFF, v62;
	vm1 =	veq.s32 v8, $0x6  }
0x90: {  	[tilespmem:$0x1FF80] =	vst v9;
	v9 =	vsel vm1, $0xFFFFFFFF, v63;
	vm1 =	veq.s32 v8, $0x7;
	v8 =	vimm.s32 $0x0  }
0x91: {  	(erf) = vrcp.f32 v57;
	v10 =	vnsel vm11, $0x0, v4;
	[tilespmem:$0x1FF90] =	vst v9;
	v8 =	vsel vm1, $0xFFFFFFFF, v8  }
0x92: {  	(erf) = vrcp.f32 v59;
	vm1 =	veq.s32 v10, $0x2;
	[tilespmem:$0x1FFA0] =	vst v8;
	v8 =	vimm.s32 $0x0  }
0x93: {  	[tilespmem:s24+$0x2000] =	vst v27;
	v8 =	vsel vm1, $0xFFFFFFFF, v8  }
0x94: {  	vm1 =	veq.s32 v10, $0x3;
	[tilespmem:$0x1FFB0] =	vst v8;
	v8 =	vimm.s32 $0x0  }
0x95: {  	v8 =	vsel vm1, $0xFFFFFFFF, v8  }
0x96: {  	vm1 =	veq.s32 v10, $0x4;
	[tilespmem:$0x1FFC0] =	vst v8;
	v8 =	vimm.s32 $0x0  }
0x97: {  	v8 =	vsel vm1, $0xFFFFFFFF, v8  }
0x98: {  	vm1 =	veq.s32 v10, $0x5;
	[tilespmem:$0x1FFD0] =	vst v8;
	v8 =	vimm.s32 $0x0  }
0x99: {  	[tilespmem:s23+$0x2000] =	vst v31;
	v8 =	vsel vm1, $0xFFFFFFFF, v8  }
0x9a: {  	v6 =	vpop (erf);
	vm1 =	veq.s32 v10, $0x6;
	[tilespmem:$0x1FFE0] =	vst v8;
	v8 =	vimm.s32 $0x0  }
0x9b: {  	v4 =	vmul.f32 v6, v56;
	v1 =	vpop (erf);
	v8 =	vsel vm1, $0xFFFFFFFF, v8  }
0x9c: {  	v3 =	vmul.f32 v1, v58;
	s23 =	simm.s32 $0x0;
	vm1 =	vmmov vm7;
	vm7 =	veq.s32 v10, $0x7;
	[tilespmem:$0x1FFF0] =	vst v8  }
.LBB2_2:
0x9d: {  	v18 =	vld [tilespmem:$0x1FF80]  }
0x9e: {  	v56 =	vld [tilespmem:$0x1FF90]  }
0x9f: {  	v57 =	vld [tilespmem:$0x1FFA0];
	_ =	sdelay $0x2  }
0xa0: {  	v9 =	vnsel vm0, $0x0, v7;
	v14 =	vsel vm3, $0x0, v4;
	vm0 =	vnez.u8 v18  }
0xa1: {  	v15 =	vnsel vm15, $0x0, v4;
	v29 =	vnsel vm0, $0x0, v4;
	vm0 =	vnez.u8 v56  }
0xa2: {  	v19 =	vnsel vm6, $0x0, v4;
	v30 =	vnsel vm0, $0x0, v4;
	vm0 =	vnez.u8 v57  }
0xa3: {  	v22 =	vnsel vm9, $0x0, v4;
	v28 =	vnsel vm8, $0x0, v4;
	v31 =	vnsel vm0, $0x0, v4;
	v4 =	vld [tilespmem:$0x1FFB0];
	_ =	sdelay $0x4  }
0xa4: {  	vm0 =	vnez.u8 v4;
	v4 =	vld [tilespmem:$0x1FFC0];
	_ =	sdelay $0x4  }
0xa5: {  	v34 =	vnsel vm0, $0x0, v3;
	vm0 =	vnez.u8 v4;
	v4 =	vld [tilespmem:$0x1FFD0];
	_ =	sdelay $0x4  }
0xa6: {  	v35 =	vnsel vm0, $0x0, v3;
	vm0 =	vnez.u8 v4;
	v4 =	vld [tilespmem:$0x1FFE0];
	_ =	sdelay $0x4  }
0xa7: {  	v36 =	vnsel vm0, $0x0, v3;
	vm0 =	vnez.u8 v4;
	v4 =	vld [tilespmem:$0x1FE20];
	_ =	sdelay $0x4  }
0xa8: {  	v37 =	vnsel vm0, $0x0, v3;
	vm0 =	vnez.u8 v4  }
0xa9: {  	v4 =	vsel vm0, v5, v2;
	v5 =	vld [tilespmem:$0x1FFF0];
	_ =	sdelay $0x4  }
0xaa: {  	v32 =	vsel vm11, $0x0, v3;
	vm0 =	vnez.u8 v5  }
0xab: {  	v33 =	vnsel vm1, $0x0, v3;
	v27 =	vnsel vm7, $0x0, v3;
	v26 =	vnsel vm0, $0x0, v3;
	v3 =	vld [tilespmem:$0x1FE10];
	_ =	sdelay $0x1  }
0xac: {  	[tilespmem:s9+$0x2000] =	vst v4;
	v4 =	vld [tilespmem:$0x1FE50];
	_ =	sdelay $0x2  }
0xad: {  	v8 =	vnsel vm4, $0x0, v7;
	vm0 =	vnez.u8 v3  }
0xae: {  	v5 =	vld [tilespmem:$0x1FE90];
	v3 =	vsel vm0, v2, v8  }
0xaf: {  	vm0 =	vnez.u8 v4;
	[tilespmem:s9+$0x2080] =	vst v3;
	v3 =	vld [tilespmem:$0x1FEC0]  }
0xb0: {  	v58 =	vld [tilespmem:$0x1FEF0];
	v4 =	vsel vm0, v2, v9  }
0xb1: {  	[tilespmem:s9+$0x2100] =	vst v4;
	v4 =	vld [tilespmem:$0x1FF10];
	_ =	sdelay $0x1  }
0xb2: {  	v10 =	vnsel vm2, $0x0, v7;
	vm0 =	vnez.u8 v5  }
0xb3: {  	v11 =	vnsel vm14, $0x0, v7;
	v5 =	vsel vm0, v2, v10;
	vm0 =	vnez.u8 v3  }
0xb4: {  	v12 =	vnsel vm13, $0x0, v7;
	v3 =	vsel vm0, v2, v11;
	vm0 =	vnez.u8 v58  }
0xb5: {  	v9 =	vsel vm0, v2, v12;
	vm0 =	vnez.u8 v4;
	v4 =	vld [tilespmem:$0x1FF20];
	_ =	sdelay $0x3  }
0xb6: {  	s11 =	sadd.s32 $0x40, s11;
	s23 =	sadd.s32 $0x200, s23;
	v13 =	vnsel vm12, $0x0, v7  }
0xb7: {  	s0 =	sand.u32 $0x40, s11;
	s1 =	sand.u32 $0x1C00, s23;
	v59 =	vsel vm0, v2, v13;
	vm0 =	vnez.u8 v4;
	v4 =	vld [tilespmem:$0x1FE60]  }
0xb8: {  	p0 =	por !p0, !p0;
	s2 =	simm.s32 $0x1;
	s29 =	sor.u32 s0, s1  }
0xb9: {  	s2 =	simm.s32 @!p0 $0x0;
	v16 =	vld [tilespmem:s29+$0x30]  }
0xba: {  	s21 =	sshll.u32 s2, $0x6;
	v17 =	vld [tilespmem:s29+$0xB0]  }
0xbb: {  	v7 =	vnsel vm10, $0x0, v7;
	s2 =	sadd.s32 s21, s23;
	v20 =	vld [tilespmem:s29+$0x1B0]  }
0xbc: {  	s28 =	sadd.s32 $0x30, s2;
	v7 =	vsel vm0, v2, v7;
	vm0 =	vnez.u8 v4;
	v4 =	vld [tilespmem:$0x1FE30]  }
0xbd: {  	v18 =	vld [tilespmem:s29+$0x130];
	s24 =	sor.u32 $0x200, s28  }
0xbe: {  	s25 =	sor.u32 $0x280, s28;
	v21 =	vld [tilespmem:s24+$0x0]  }
0xbf: {  	v23 =	vld [tilespmem:s25+$0x0]  }
0xc0: {  	v2 =	vld [tilespmem:s29+$0x0];
	[tilespmem:s9+$0x2180] =	vst v5  }
0xc1: {  	s22 =	rddreg [dreg:$0x3];
	v60 =	vsel vm0, v14, v6;
	vm0 =	vnez.u8 v4;
	v4 =	vld [tilespmem:s29+$0x80]  }
0xc2: {  	s26 =	sor.u32 $0x300, s28;
	[tilespmem:s22+$0x2000] =	vst v3;
	v3 =	vld [tilespmem:$0x1FE70]  }
0xc3: {  	s28 =	sor.u32 $0x380, s28;
	v24 =	vld [tilespmem:s26+$0x0];
	v8 =	vmax.f32 v16, v17  }
0xc4: {  	v25 =	vld [tilespmem:s28+$0x0];
	v8 =	vmax.f32 v8, v18  }
0xc5: {  	v8 =	vmax.f32 v8, v20  }
0xc6: {  	v5 =	vmax.f32 v8, v21  }
0xc7: {  	v8 =	vmax.f32 v5, v23;
	v61 =	vsel vm0, v6, v15;
	vm0 =	vnez.u8 v3;
	v3 =	vld [tilespmem:$0x1FEA0]  }
0xc8: {  	v5 =	vld [tilespmem:$0x1FED0];
	v8 =	vmax.f32 v8, v24  }
0xc9: {  	v38 =	vmax.f32 v8, v25;
	v8 =	vld [tilespmem:$0x1FE80]  }
0xca: {  	v42 =	vld [tilespmem:$0x1FF40]  }
0xcb: {  	v44 =	vld [tilespmem:$0x1FF60]  }
0xcc: {  	v52 =	vld [tilespmem:$0x1FEE0];
	v62 =	vsel vm0, v6, v19;
	vm0 =	vnez.u8 v3  }
0xcd: {  	s21 =	rddreg [dreg:$0x4];
	v63 =	vsel vm0, v6, v22;
	vm0 =	vnez.u8 v5;
	v5 =	vld [tilespmem:$0x1FF00]  }
0xce: {  	s10 =	sor.u32 $0x280, s2;
	vm1 =	vnez.u8 v8;
	v8 =	vld [tilespmem:$0x1FEB0];
	s22 =	rddreg [dreg:$0x5];
	[tilespmem:s21+$0x2000] =	vst v9  }
0xcf: {  	v57 =	vld [tilespmem:$0x1FF30];
	s21 =	smov.u32 s10;
	s10 =	rddreg [dreg:$0x6];
	[tilespmem:s22+$0x2000] =	vst v59  }
0xd0: {  	[tilespmem:s10+$0x2000] =	vst v7;
	v7 =	vld [tilespmem:$0x1FE40]  }
0xd1: {  	v46 =	vsel vm5, v32, v1;
	v3 =	vld [tilespmem:s29+$0x10]  }
0xd2: {  	v48 =	vsel vm1, v1, v34;
	v40 =	vsel vm0, v6, v28;
	vm0 =	vnez.u8 v5;
	v5 =	vld [tilespmem:s29+$0x90];
	[tilespmem:s9+$0x2010] =	vst v60  }
0xd3: {  	vm1 =	vnez.u8 v8;
	v8 =	vld [tilespmem:s29+$0x100];
	[tilespmem:s9+$0x2090] =	vst v61;
	v41 =	vsel vm0, v6, v29;
	vm0 =	vnez.u8 v42  }
0xd4: {  	vm2 =	vne.f32 v16, v38;
	v9 =	vld [tilespmem:s29+$0x110];
	[tilespmem:s9+$0x2110] =	vst v62;
	v43 =	vsel vm0, v6, v30;
	vm0 =	vnez.u8 v44  }
0xd5: {  	v49 =	vsel vm1, v1, v35;
	vm1 =	vnez.u8 v52;
	[tilespmem:s9+$0x2190] =	vst v63;
	v45 =	vsel vm0, v6, v31;
	v6 =	vld [tilespmem:s29+$0x20]  }
0xd6: {  	v50 =	vmax.f32 v2, v4;
	v53 =	vsel vm1, v1, v36;
	[tilespmem:s15+$0x2000] =	vst v40;
	vm0 =	vnez.u8 v7;
	v7 =	vld [tilespmem:s29+$0xA0]  }
0xd7: {  	s12 =	sor.u32 s23, s11;
	vm1 =	vnez.u8 v57;
	v11 =	vld [tilespmem:s29+$0x190];
	v47 =	vsel vm0, v1, v33;
	vm0 =	veq.f32 v25, v38  }
0xd8: {  	s4 =	sor.u32 $0x380, s12;
	s6 =	sadd.s32 $0x20, s2;
	v13 =	vld [tilespmem:s29+$0x120];
	v58 =	vsel vm1, v1, v37;
	v51 =	vsel vm0, $0x7, v0;
	vm0 =	veq.f32 v24, v38  }
0xd9: {  	s31 =	sadd.s32 $0x10, s2;
	s8 =	sor.u32 $0x200, s2;
	s0 =	sor.u32 $0x200, s6;
	v14 =	vld [tilespmem:s29+$0x1A0];
	v62 =	vnsel vm2, $0xFF800000, v16;
	v10 =	vsel vm0, $0x6, v51;
	vm0 =	veq.f32 v23, v38  }
0xda: {  	s12 =	sor.u32 $0x300, s2;
	s7 =	sor.u32 $0x200, s31;
	s3 =	sor.u32 $0x280, s31;
	v15 =	vld [tilespmem:s0+$0x0];
	v54 =	vmax.f32 v3, v5;
	v55 =	vsel vm0, $0x5, v10;
	vm0 =	veq.f32 v21, v38  }
0xdb: {  	s1 =	sor.u32 $0x280, s6;
	s5 =	sor.u32 $0x300, s31;
	s30 =	sor.u32 $0x300, s6;
	[tilespmem:s17+$0x2000] =	vst v41;
	v41 =	vld [tilespmem:$0x1FF50];
	v33 =	vmax.f32 v50, v8;
	v35 =	vmax.f32 v54, v9;
	v56 =	vsel vm0, $0x4, v55  }
0xdc: {  	s2 =	sor.u32 $0x380, s31;
	s31 =	sor.u32 $0x380, s6;
	s6 =	smov.u32 s8;
	v10 =	vld [tilespmem:s29+$0x180];
	vm0 =	veq.f32 v20, v38;
	v59 =	vmax.f32 v6, v7;
	v35 =	vmax.f32 v35, v11  }
0xdd: {  	v19 =	vld [tilespmem:s6+$0x0];
	[tilespmem:s9+$0x2020] =	vst v46;
	v12 =	vsel vm0, $0x3, v56;
	vm0 =	veq.f32 v18, v38;
	v37 =	vmax.f32 v59, v13  }
0xde: {  	v22 =	vld [tilespmem:s21+$0x0];
	[tilespmem:s9+$0x2120] =	vst v48;
	v60 =	vsel vm0, $0x2, v12;
	vm0 =	veq.f32 v17, v38;
	v37 =	vmax.f32 v37, v14  }
0xdf: {  	s15 =	smov.u32 s7;
	[tilespmem:s19+$0x2000] =	vst v43;
	v54 =	vld [tilespmem:$0x1FF70];
	v61 =	vsel vm0, $0x1, v60;
	vm4 =	vmand vm2, vm0;
	v37 =	vmax.f32 v37, v15  }
0xe0: {  	s17 =	smov.u32 s3;
	v12 =	vld [tilespmem:s15+$0x0];
	[tilespmem:s20+$0x2000] =	vst v45;
	vm0 =	vnez.u8 v41;
	v39 =	vnsel vm2, $0x0, v61;
	v63 =	vsel vm4, $0xFF800000, v17  }
0xe1: {  	[tilespmem:s9+$0x20A0] =	vst v47;
	v16 =	vld [tilespmem:s17+$0x0];
	v50 =	vmax.f32 v33, v10;
	v41 =	vsel vm0, v1, v26;
	vm3 =	veq.s32 v39, $0x2  }
0xe2: {  	s22 =	smov.u32 s12;
	v17 =	vld [tilespmem:s1+$0x0];
	[tilespmem:s9+$0x21A0] =	vst v49;
	vm5 =	veq.s32 v39, $0x3;
	v45 =	vmax.f32 v62, v63;
	vm9 =	veq.s32 v39, $0x6  }
0xe3: {  	s12 =	smov.u32 s4;
	vm7 =	veq.s32 v39, $0x4;
	[tilespmem:s14+$0x2000] =	vst v53;
	vm10 =	veq.s32 v39, $0x7;
	v49 =	vsel vm9, $0xFF800000, v24;
	v24 =	vld [tilespmem:s22+$0x0]  }
0xe4: {  	vm8 =	veq.s32 v39, $0x5;
	v44 =	vsel vm3, $0xFF800000, v18;
	[tilespmem:s16+$0x2000] =	vst v58;
	v51 =	vsel vm10, $0xFF800000, v25;
	v25 =	vld [tilespmem:s12+$0x0]  }
0xe5: {  	v46 =	vsel vm5, $0xFF800000, v20;
	v47 =	vsel vm7, $0xFF800000, v21;
	v18 =	vmax.f32 v45, v44;
	v21 =	vld [tilespmem:s30+$0x0]  }
0xe6: {  	s19 =	smov.u32 s5;
	vm0 =	vnez.u8 v54;
	v48 =	vsel vm8, $0xFF800000, v23;
	v23 =	vld [tilespmem:s31+$0x0];
	v20 =	vmax.f32 v18, v46  }
0xe7: {  	v54 =	vimm.s32 $0x0;
	v40 =	vmax.f32 v50, v19;
	v18 =	vld [tilespmem:s19+$0x0];
	v20 =	vmax.f32 v20, v47  }
0xe8: {  	v27 =	vsel vm0, v1, v27;
	v35 =	vmax.f32 v35, v12;
	v20 =	vmax.f32 v20, v48  }
0xe9: {  	s20 =	smov.u32 s2;
	v40 =	vmax.f32 v40, v22;
	v35 =	vmax.f32 v35, v16;
	v52 =	vmax.f32 v20, v49  }
0xea: {  	[tilespmem:s13+$0x2000] =	vst v41;
	v37 =	vmax.f32 v37, v17;
	v20 =	vld [tilespmem:s20+$0x0];
	v40 =	vmax.f32 v40, v24;
	v53 =	vmax.f32 v52, v51  }
0xeb: {  	[tilespmem:s18+$0x2000] =	vst v27;
	v37 =	vmax.f32 v37, v21;
	v27 =	vmax.f32 v40, v25;
	v52 =	vimm.s32 $0x0  }
0xec: {  	v38 =	vsub.f32 v53, v38;
	v35 =	vmax.f32 v35, v18;
	v1 =	vmax.f32 v37, v23  }
0xed: {  	vm6 =	veq.f32 v25, v27;
	vm11 =	veq.f32 v24, v27;
	vm13 =	vne.f32 v2, v27  }
0xee: {  	v57 =	vsel vm6, $0x7, v0;
	vm6 =	veq.f32 v19, v27;
	v38 =	vmul.f32 $1.442695020e+00, v38  }
0xef: {  	vm15 =	vne.f32 v6, v1;
	v2 =	vnsel vm13, $0xFF800000, v2;
	v26 =	vmax.f32 v35, v20  }
0xf0: {  	(erf) = vpow2.f32 v38;
	vm0 =	veq.f32 v20, v26;
	vm1 =	veq.f32 v18, v26  }
0xf1: {  	v38 =	vsel vm11, $0x6, v57;
	vm11 =	veq.f32 v51, v53;
	vm12 =	vne.f32 v3, v26  }
0xf2: {  	v57 =	vimm.s32 $0x0;
	v55 =	vsel vm0, $0x7, v0;
	vm0 =	veq.f32 v23, v1  }
0xf3: {  	v33 =	vsel vm11, $0x7, v0;
	vm11 =	veq.f32 v49, v53;
	v3 =	vnsel vm12, $0xFF800000, v3  }
0xf4: {  	v56 =	vsel vm0, $0x7, v0;
	v35 =	vsel vm1, $0x6, v55;
	vm0 =	veq.f32 v21, v1  }
0xf5: {  	vm1 =	veq.f32 v22, v27;
	v36 =	vsel vm11, $0x6, v33;
	vm11 =	veq.f32 v48, v53  }
0xf6: {  	v48 =	vimm.s32 $0x0;
	v55 =	vimm.s32 $0x0;
	v37 =	vsel vm0, $0x6, v56  }
0xf7: {  	v38 =	vsel vm1, $0x5, v38;
	vm0 =	veq.f32 v16, v26;
	vm1 =	veq.f32 v17, v1  }
0xf8: {  	v34 =	vsel vm11, $0x5, v36;
	vm11 =	veq.f32 v47, v53;
	v47 =	vimm.s32 $0x0  }
0xf9: {  	v56 =	vimm.s32 $0x0;
	v35 =	vsel vm0, $0x5, v35;
	v37 =	vsel vm1, $0x5, v37;
	v58 =	vpop (erf)  }
0xfa: {  	v38 =	vsel vm6, $0x4, v38;
	vm0 =	veq.f32 v12, v26;
	v59 =	vadd.f32 $1.000000000e+00, v58  }
0xfb: {  	vm1 =	veq.f32 v15, v1;
	vm6 =	veq.f32 v10, v27;
	v34 =	vsel vm11, $0x4, v34  }
0xfc: {  	vm11 =	veq.f32 v46, v53;
	v35 =	vsel vm0, $0x4, v35;
	(erf) = vrcp.f32 v59  }
0xfd: {  	v37 =	vsel vm1, $0x4, v37;
	vm0 =	veq.f32 v11, v26;
	vm1 =	veq.f32 v14, v1  }
0xfe: {  	v38 =	vsel vm6, $0x3, v38;
	vm6 =	veq.f32 v4, v27;
	v34 =	vsel vm11, $0x3, v34  }
0xff: {  	vm11 =	veq.f32 v44, v53;
	v35 =	vsel vm0, $0x3, v35;
	v37 =	vsel vm1, $0x3, v37  }
0x100: {  	vm0 =	veq.f32 v8, v27;
	vm1 =	veq.f32 v9, v26;
	v34 =	vsel vm11, $0x2, v34  }
0x101: {  	vm11 =	veq.f32 v63, v53;
	vm14 =	vmand vm13, vm6;
	v38 =	vsel vm0, $0x2, v38  }
0x102: {  	v35 =	vsel vm1, $0x2, v35;
	vm0 =	veq.f32 v13, v1;
	vm1 =	veq.f32 v5, v26  }
0x103: {  	v34 =	vsel vm11, $0x1, v34;
	v37 =	vsel vm0, $0x2, v37;
	v38 =	vsel vm6, $0x1, v38  }
0x104: {  	v35 =	vsel vm1, $0x1, v35;
	vm0 =	veq.f32 v7, v1;
	vm6 =	vne.f32 v62, v53  }
0x105: {  	v53 =	vimm.s32 $0x0;
	v37 =	vsel vm0, $0x1, v37;
	v33 =	vnsel vm13, $0x0, v38;
	v60 =	vpop (erf)  }
0x106: {  	v32 =	vnsel vm12, $0x0, v35;
	v28 =	vnsel vm6, $0x0, v34;
	v61 =	vmul.f32 v60, v58  }
0x107: {  	vm0 =	vmand vm15, vm0;
	v35 =	vimm.s32 $0x0;
	v31 =	vnsel vm15, $0x0, v37  }
0x108: {  	v59 =	vimm.s32 $0x0;
	v62 =	vsel vm6, $0x0, v61;
	vm6 =	vmand vm6, vm11  }
0x109: {  	v58 =	vimm.s32 $0x0;
	v34 =	vsel vm2, v62, v60;
	v63 =	vnsel vm6, $0x0, v61  }
0x10a: {  	vm2 =	veq.s32 v28, $0x2;
	v62 =	vimm.s32 $0x0;
	v36 =	vsel vm4, v60, v63  }
0x10b: {  	s9 =	smov.u32 s29;
	v37 =	vnsel vm2, $0x0, v61;
	vm2 =	veq.s32 v28, $0x3;
	vm4 =	veq.s32 v33, $0x2  }
0x10c: {  	[tilespmem:s9+$0x2030] =	vst v34;
	v34 =	vsel vm15, $0xFFFFFFFF, v47;
	v63 =	vimm.s32 $0x0;
	v38 =	vsel vm3, v60, v37  }
0x10d: {  	[tilespmem:s9+$0x20B0] =	vst v36;
	v39 =	vnsel vm2, $0x0, v61;
	vm2 =	veq.s32 v28, $0x4;
	vm3 =	vmand vm12, vm1  }
0x10e: {  	[tilespmem:s9+$0x2130] =	vst v38;
	v40 =	vsel vm5, v60, v39;
	v41 =	vnsel vm2, $0x0, v61;
	vm2 =	veq.s32 v28, $0x5  }
0x10f: {  	vm1 =	veq.s32 v31, $0x2;
	[tilespmem:s9+$0x21B0] =	vst v40;
	v42 =	vsel vm7, v60, v41;
	v43 =	vnsel vm2, $0x0, v61  }
0x110: {  	v36 =	vimm.s32 $0x0;
	vm2 =	veq.s32 v28, $0x6;
	[tilespmem:s24+$0x2000] =	vst v42;
	v44 =	vsel vm8, v60, v43  }
0x111: {  	v45 =	vnsel vm2, $0x0, v61;
	vm2 =	veq.s32 v28, $0x7;
	v28 =	vsel vm14, $0xFFFFFFFF, v48;
	[tilespmem:s25+$0x2000] =	vst v44  }
0x112: {  	v46 =	vsel vm9, v60, v45;
	v29 =	vnsel vm2, $0x0, v61;
	[tilespmem:$0x1FE10] =	vst v28;
	v28 =	vsel vm14, $0xFF800000, v4  }
0x113: {  	vm2 =	veq.s32 v32, $0x2;
	v4 =	vimm.s32 $0x0;
	[tilespmem:s26+$0x2000] =	vst v46;
	v29 =	vsel vm10, v60, v29  }
0x114: {  	v61 =	vimm.s32 $0x0;
	v4 =	vsel vm13, $0xFFFFFFFF, v4;
	v49 =	vmax.f32 v2, v28;
	[tilespmem:s28+$0x2000] =	vst v29  }
0x115: {  	[tilespmem:$0x1FE20] =	vst v4;
	v4 =	vimm.s32 $0x0;
	v29 =	vsel vm3, $0xFF800000, v5;
	v5 =	vsel vm0, $0xFF800000, v7  }
0x116: {  	[tilespmem:$0x1FE00] =	vst v34;
	v7 =	vsel vm4, $0xFF800000, v8;
	v8 =	vimm.s32 $0x0;
	v4 =	vsel vm3, $0xFFFFFFFF, v4  }
0x117: {  	v60 =	vimm.s32 $0x0;
	vm3 =	veq.s32 v33, $0x3;
	v8 =	vsel vm1, $0xFFFFFFFF, v8;
	[tilespmem:$0x1FE30] =	vst v4  }
0x118: {  	v50 =	vmax.f32 v3, v29;
	v4 =	vimm.s32 $0x0;
	[tilespmem:$0x1FE80] =	vst v8;
	v34 =	vsel vm3, $0xFFFFFFFF, v52  }
0x119: {  	v8 =	vsel vm1, $0xFF800000, v13;
	vm1 =	veq.s32 v32, $0x3;
	v4 =	vsel vm0, $0xFFFFFFFF, v4;
	[tilespmem:$0x1FE90] =	vst v34  }
0x11a: {  	v10 =	vsel vm3, $0xFF800000, v10;
	v34 =	vsel vm1, $0xFFFFFFFF, v53;
	[tilespmem:$0x1FE40] =	vst v4;
	v4 =	vimm.s32 $0x0  }
0x11b: {  	vm0 =	veq.s32 v31, $0x3;
	v11 =	vsel vm1, $0xFF800000, v11;
	[tilespmem:$0x1FEA0] =	vst v34;
	v4 =	vsel vm4, $0xFFFFFFFF, v4  }
0x11c: {  	vm1 =	veq.s32 v32, $0x4;
	v34 =	vsel vm0, $0xFFFFFFFF, v54;
	[tilespmem:$0x1FE50] =	vst v4;
	v4 =	vimm.s32 $0x0  }
0x11d: {  	v14 =	vsel vm0, $0xFF800000, v14;
	vm0 =	veq.s32 v31, $0x4;
	v4 =	vsel vm12, $0xFFFFFFFF, v4  }
0x11e: {  	v12 =	vsel vm1, $0xFF800000, v12;
	[tilespmem:$0x1FE60] =	vst v4;
	v4 =	vnsel vm15, $0xFF800000, v6;
	v6 =	vimm.s32 $0x0  }
0x11f: {  	v54 =	vimm.s32 $0x0;
	v15 =	vsel vm0, $0xFF800000, v15;
	v6 =	vsel vm2, $0xFFFFFFFF, v6  }
0x120: {  	v51 =	vmax.f32 v4, v5;
	[tilespmem:$0x1FE70] =	vst v6;
	v6 =	vsel vm2, $0xFF800000, v9;
	v9 =	vmax.f32 v49, v7  }
0x121: {  	v30 =	vmax.f32 v51, v8;
	vm2 =	veq.s32 v33, $0x4;
	v13 =	vmax.f32 v50, v6  }
0x122: {  	[tilespmem:$0x1FEB0] =	vst v34;
	v9 =	vmax.f32 v9, v10;
	v34 =	vsel vm2, $0xFFFFFFFF, v55;
	v19 =	vsel vm2, $0xFF800000, v19  }
0x123: {  	v30 =	vmax.f32 v30, v14;
	vm2 =	veq.s32 v33, $0x5;
	v55 =	vimm.s32 $0x0  }
0x124: {  	[tilespmem:$0x1FEC0] =	vst v34;
	v13 =	vmax.f32 v13, v11;
	v34 =	vsel vm1, $0xFFFFFFFF, v56;
	v9 =	vmax.f32 v9, v19  }
0x125: {  	vm1 =	veq.s32 v32, $0x5;
	v22 =	vsel vm2, $0xFF800000, v22;
	v30 =	vmax.f32 v30, v15  }
0x126: {  	[tilespmem:$0x1FED0] =	vst v34;
	v34 =	vsel vm0, $0xFFFFFFFF, v57;
	vm0 =	veq.s32 v31, $0x5;
	v13 =	vmax.f32 v13, v12  }
0x127: {  	v16 =	vsel vm1, $0xFF800000, v16;
	v9 =	vmax.f32 v9, v22;
	v57 =	vimm.s32 $0x0  }
0x128: {  	[tilespmem:$0x1FEE0] =	vst v34;
	v34 =	vsel vm2, $0xFFFFFFFF, v58;
	vm2 =	veq.s32 v33, $0x6;
	v17 =	vsel vm0, $0xFF800000, v17  }
0x129: {  	v13 =	vmax.f32 v13, v16;
	[tilespmem:$0x1FEF0] =	vst v34;
	v34 =	vsel vm1, $0xFFFFFFFF, v59;
	vm1 =	veq.s32 v32, $0x6  }
0x12a: {  	v24 =	vsel vm2, $0xFF800000, v24;
	v30 =	vmax.f32 v30, v17;
	[tilespmem:$0x1FF00] =	vst v34;
	v34 =	vsel vm0, $0xFFFFFFFF, v60  }
0x12b: {  	vm0 =	veq.s32 v31, $0x6;
	v18 =	vsel vm1, $0xFF800000, v18;
	v9 =	vmax.f32 v9, v24  }
0x12c: {  	[tilespmem:$0x1FF30] =	vst v34;
	v34 =	vsel vm2, $0xFFFFFFFF, v61;
	vm2 =	veq.s32 v33, $0x7;
	v33 =	vsel vm1, $0xFFFFFFFF, v62  }
0x12d: {  	v21 =	vsel vm0, $0xFF800000, v21;
	vm1 =	veq.s32 v32, $0x7;
	v13 =	vmax.f32 v13, v18;
	[tilespmem:$0x1FF10] =	vst v34  }
0x12e: {  	[tilespmem:$0x1FF40] =	vst v33;
	v33 =	vsel vm0, $0xFFFFFFFF, v63;
	vm0 =	veq.s32 v31, $0x7;
	v34 =	vimm.s32 $0x0  }
0x12f: {  	v25 =	vsel vm2, $0xFF800000, v25;
	v30 =	vmax.f32 v30, v21;
	v20 =	vsel vm1, $0xFF800000, v20  }
0x130: {  	v31 =	vsel vm2, $0xFFFFFFFF, v34;
	v9 =	vmax.f32 v9, v25;
	v23 =	vsel vm0, $0xFF800000, v23  }
0x131: {  	v13 =	vmax.f32 v13, v20;
	[tilespmem:$0x1FF20] =	vst v31;
	v31 =	vsel vm1, $0xFFFFFFFF, v35;
	v27 =	vsub.f32 v9, v27  }
0x132: {  	v30 =	vmax.f32 v30, v23;
	v37 =	vsub.f32 v13, v26;
	vm1 =	veq.f32 v20, v13  }
0x133: {  	vm4 =	veq.f32 v28, v9;
	vm15 =	veq.f32 v29, v13;
	vm5 =	vne.f32 v2, v9  }
0x134: {  	vm3 =	vne.f32 v3, v13;
	[tilespmem:$0x1FF60] =	vst v31;
	v31 =	vsel vm0, $0xFFFFFFFF, v36;
	vm0 =	veq.f32 v25, v9  }
0x135: {  	v1 =	vsub.f32 v30, v1;
	vm2 =	veq.f32 v23, v30;
	v41 =	vsel vm1, $0x7, v0  }
0x136: {  	vm1 =	veq.f32 v18, v13;
	vm11 =	vne.f32 v4, v30;
	v38 =	vmul.f32 $1.442695020e+00, v27  }
0x137: {  	v39 =	vsel vm0, $0x7, v0;
	v40 =	vmul.f32 $1.442695020e+00, v37;
	v42 =	vsel vm2, $0x7, v0  }
0x138: {  	vm0 =	veq.f32 v24, v9;
	v1 =	vmul.f32 $1.442695020e+00, v1;
	(erf) = vpow2.f32 v38  }
0x139: {  	v43 =	vsel vm0, $0x6, v39;
	vm0 =	veq.f32 v21, v30;
	(erf) = vpow2.f32 v40  }
0x13a: {  	v4 =	vimm.s32 $0x0;
	vm2 =	veq.f32 v22, v9;
	v44 =	vsel vm0, $0x6, v42  }
0x13b: {  	v18 =	vsel vm2, $0x5, v43;
	vm2 =	veq.f32 v19, v9;
	(erf) = vpow2.f32 v1  }
0x13c: {  	vm0 =	veq.f32 v16, v13;
	v46 =	vsel vm2, $0x4, v18;
	vm2 =	veq.f32 v10, v9  }
0x13d: {  	v1 =	vsel vm1, $0x6, v41;
	vm1 =	veq.f32 v17, v30;
	v47 =	vsel vm2, $0x3, v46  }
0x13e: {  	vm2 =	veq.f32 v7, v9;
	v1 =	vsel vm0, $0x5, v1;
	vm0 =	veq.f32 v12, v13  }
0x13f: {  	v45 =	vsel vm1, $0x5, v44;
	vm1 =	veq.f32 v15, v30;
	v1 =	vsel vm0, $0x4, v1  }
0x140: {  	v15 =	vsel vm1, $0x4, v45;
	vm0 =	veq.f32 v11, v13;
	vm1 =	veq.f32 v14, v30  }
0x141: {  	v1 =	vsel vm0, $0x3, v1;
	v7 =	vsel vm1, $0x3, v15;
	vm0 =	veq.f32 v6, v13;
	v48 =	vpop (erf)  }
0x142: {  	vm1 =	veq.f32 v8, v30;
	v6 =	vsel vm2, $0x2, v47;
	v49 =	vadd.f32 $1.000000000e+00, v48;
	v8 =	vpop (erf)  }
0x143: {  	v1 =	vsel vm0, $0x2, v1;
	v7 =	vsel vm1, $0x2, v7;
	v50 =	vadd.f32 $1.000000000e+00, v8  }
0x144: {  	v6 =	vsel vm4, $0x1, v6;
	vm1 =	veq.f32 v5, v30;
	v51 =	vpop (erf);
	(erf) = vrcp.f32 v49  }
0x145: {  	v1 =	vsel vm15, $0x1, v1;
	v5 =	vnsel vm5, $0x0, v6;
	(erf) = vrcp.f32 v50  }
0x146: {  	v2 =	vsel vm1, $0x1, v7;
	vm0 =	veq.s32 v5, $0x2;
	v1 =	vnsel vm3, $0x0, v1  }
0x147: {  	vm2 =	veq.s32 v5, $0x3;
	vm14 =	veq.s32 v5, $0x4;
	vm13 =	veq.s32 v5, $0x5  }
0x148: {  	vm12 =	veq.s32 v5, $0x6;
	vm10 =	veq.s32 v5, $0x7;
	vm7 =	veq.s32 v1, $0x5  }
0x149: {  	v5 =	vsel vm7, $0xFFFFFFFF, v54;
	vm7 =	veq.s32 v1, $0x6;
	v52 =	vadd.f32 $1.000000000e+00, v51  }
0x14a: {  	v53 =	vnsel vm11, $0x0, v2;
	v3 =	vsel vm7, $0xFFFFFFFF, v4;
	vm7 =	veq.s32 v1, $0x7  }
0x14b: {  	v56 =	vsel vm7, $0xFFFFFFFF, v55;
	vm7 =	veq.s32 v53, $0x2;
	(erf) = vrcp.f32 v52  }
0x14c: {  	v59 =	vimm.s32 $0x0;
	[tilespmem:$0x1FF50] =	vst v33;
	v58 =	vsel vm7, $0xFFFFFFFF, v57;
	vm7 =	veq.s32 v53, $0x3  }
0x14d: {  	v61 =	vimm.s32 $0x0;
	[tilespmem:$0x1FF70] =	vst v31;
	v60 =	vsel vm7, $0xFFFFFFFF, v59;
	vm7 =	veq.s32 v53, $0x4;
	v2 =	vpop (erf)  }
0x14e: {  	v63 =	vimm.s32 $0x0;
	[tilespmem:$0x1FF80] =	vst v5;
	v62 =	vsel vm7, $0xFFFFFFFF, v61;
	vm7 =	veq.s32 v53, $0x5;
	v6 =	vpop (erf)  }
0x14f: {  	[tilespmem:$0x1FF90] =	vst v3;
	v4 =	vmul.f32 v6, v8;
	v8 =	vsel vm7, $0xFFFFFFFF, v63  }
0x150: {  	p1 =	slt.u32 s11, $0x3C0;
	[tilespmem:$0x1FFE0] =	vst v8;
	v8 =	vld [tilespmem:$0x1FE00]  }
.Ltmp0:
0x151: {  	[dreg:$0x3] =	wrdreg s6;
	vm4 =	vmand vm5, vm4;
	vm15 =	vmand vm3, vm15;
	[tilespmem:$0x1FFA0] =	vst v56;
	(pc) =	sbr.rel @p1 .LBB2_2-.Ltmp0, $4  }
0x152: {  	[dreg:$0x4] =	wrdreg s21;
	vm1 =	vmand vm11, vm1;
	vm6 =	veq.s32 v1, $0x2;
	vm9 =	veq.s32 v1, $0x3;
	[tilespmem:$0x1FFB0] =	vst v58  }
0x153: {  	[dreg:$0x5] =	wrdreg s22;
	v5 =	vimm.s32 $0x0;
	[tilespmem:$0x1FFC0] =	vst v60;
	v7 =	vmul.f32 v2, v48;
	vm7 =	veq.s32 v53, $0x6  }
0x154: {  	[dreg:$0x6] =	wrdreg s12;
	s14 =	smov.u32 s0;
	vm8 =	veq.s32 v1, $0x4;
	[tilespmem:$0x1FFD0] =	vst v62;
	v1 =	vpop (erf);
	v3 =	vsel vm7, $0xFFFFFFFF, v5;
	vm7 =	veq.s32 v53, $0x7  }
0x155: {  	s16 =	smov.u32 s1;
	s13 =	smov.u32 s30;
	s18 =	smov.u32 s31;
	v5 =	vsel vm5, $0x0, v7;
	[tilespmem:$0x1FFF0] =	vst v3;
	v3 =	vmul.f32 v1, v51;
	vm5 =	vnez.u8 v8  }
0x156: {  	v9 =	vld [tilespmem:$0x1FE20];
	_ =	sdelay $0x1  }
0x157: {  	v10 =	vld [tilespmem:$0x1FE10];
	_ =	sdelay $0x2  }
0x158: {  	v8 =	vnsel vm4, $0x0, v7;
	vm4 =	vmmov vm1;
	vm1 =	vnez.u8 v9  }
0x159: {  	v5 =	vsel vm1, v5, v2  }
0x15a: {  	v35 =	vnsel vm0, $0x0, v7;
	vm0 =	vnez.u8 v10;
	[tilespmem:s9+$0x2000] =	vst v5  }
0x15b: {  	v8 =	vsel vm0, v2, v8;
	v37 =	vld [tilespmem:$0x1FE50]  }
0x15c: {  	[tilespmem:s9+$0x2080] =	vst v8  }
0x15d: {  	v39 =	vld [tilespmem:$0x1FE90];
	_ =	sdelay $0x2  }
0x15e: {  	vm0 =	vnez.u8 v37  }
0x15f: {  	v9 =	vsel vm0, v2, v35  }
0x160: {  	v36 =	vnsel vm2, $0x0, v7;
	v38 =	vnsel vm14, $0x0, v7;
	vm14 =	vnez.u8 v39;
	[tilespmem:s9+$0x2100] =	vst v9  }
0x161: {  	v5 =	vsel vm14, v2, v36;
	v41 =	vld [tilespmem:$0x1FEC0]  }
0x162: {  	[tilespmem:s9+$0x2180] =	vst v5  }
0x163: {  	v43 =	vld [tilespmem:$0x1FEF0];
	_ =	sdelay $0x2  }
0x164: {  	vm14 =	vnez.u8 v41  }
0x165: {  	s0 =	rddreg [dreg:$0x3];
	v8 =	vsel vm14, v2, v38  }
0x166: {  	v40 =	vnsel vm13, $0x0, v7;
	vm13 =	vnez.u8 v43;
	[tilespmem:s0+$0x2000] =	vst v8  }
0x167: {  	v9 =	vsel vm13, v2, v40;
	v8 =	vld [tilespmem:$0x1FF10];
	s0 =	rddreg [dreg:$0x4]  }
0x168: {  	[tilespmem:s0+$0x2000] =	vst v9  }
0x169: {  	v9 =	vld [tilespmem:$0x1FF20];
	_ =	sdelay $0x2  }
0x16a: {  	v42 =	vnsel vm12, $0x0, v7;
	vm14 =	vnez.u8 v8  }
0x16b: {  	s0 =	rddreg [dreg:$0x5];
	v5 =	vsel vm14, v2, v42  }
0x16c: {  	v44 =	vnsel vm10, $0x0, v7;
	vm10 =	vnez.u8 v9;
	[tilespmem:s0+$0x2000] =	vst v5  }
0x16d: {  	v2 =	vsel vm10, v2, v44;
	v47 =	vld [tilespmem:$0x1FE60];
	s0 =	rddreg [dreg:$0x6]  }
0x16e: {  	[tilespmem:s0+$0x2000] =	vst v2  }
0x16f: {  	v48 =	vld [tilespmem:$0x1FE30];
	_ =	sdelay $0x2  }
0x170: {  	v45 =	vsel vm3, $0x0, v4;
	vm12 =	vnez.u8 v47  }
0x171: {  	v7 =	vsel vm12, v45, v6  }
0x172: {  	v46 =	vnsel vm15, $0x0, v4;
	vm13 =	vnez.u8 v48;
	[tilespmem:s9+$0x2010] =	vst v7  }
0x173: {  	v5 =	vsel vm13, v6, v46;
	v50 =	vld [tilespmem:$0x1FE70]  }
0x174: {  	[tilespmem:s9+$0x2090] =	vst v5  }
0x175: {  	v52 =	vld [tilespmem:$0x1FEA0];
	_ =	sdelay $0x2  }
0x176: {  	v2 =	vnsel vm6, $0x0, v4;
	vm14 =	vnez.u8 v50  }
0x177: {  	v2 =	vsel vm14, v6, v2  }
0x178: {  	v49 =	vnsel vm9, $0x0, v4;
	vm15 =	vnez.u8 v52;
	[tilespmem:s9+$0x2110] =	vst v2  }
0x179: {  	v7 =	vsel vm15, v6, v49;
	v53 =	vld [tilespmem:$0x1FED0]  }
0x17a: {  	v2 =	vld [tilespmem:$0x1FF80];
	[tilespmem:s9+$0x2190] =	vst v7  }
0x17b: {  	v54 =	vld [tilespmem:$0x1FF00];
	_ =	sdelay $0x2  }
0x17c: {  	v51 =	vnsel vm8, $0x0, v4;
	vm8 =	vnez.u8 v53  }
0x17d: {  	vm6 =	vnez.u8 v2;
	v5 =	vsel vm8, v6, v51  }
0x17e: {  	v7 =	vld [tilespmem:$0x1FF90];
	v2 =	vnsel vm6, $0x0, v4;
	vm10 =	vnez.u8 v54;
	[tilespmem:s15+$0x2000] =	vst v5  }
0x17f: {  	v2 =	vsel vm10, v6, v2;
	v5 =	vld [tilespmem:$0x1FFA0]  }
0x180: {  	v56 =	vld [tilespmem:$0x1FF40];
	[tilespmem:s17+$0x2000] =	vst v2  }
0x181: {  	v57 =	vld [tilespmem:$0x1FF60];
	_ =	sdelay $0x2  }
0x182: {  	vm9 =	vnez.u8 v7  }
0x183: {  	v7 =	vnsel vm9, $0x0, v4;
	vm12 =	vnez.u8 v5;
	vm13 =	vnez.u8 v56  }
0x184: {  	v55 =	vnsel vm12, $0x0, v4;
	v5 =	vsel vm13, v6, v7;
	vm14 =	vnez.u8 v57  }
0x185: {  	[tilespmem:s19+$0x2000] =	vst v5;
	v4 =	vsel vm14, v6, v55  }
0x186: {  	[tilespmem:s20+$0x2000] =	vst v4  }
0x187: {  	v59 =	vld [tilespmem:$0x1FE40];
	_ =	sdelay $0x2  }
0x188: {  	v2 =	vsel vm11, $0x0, v3  }
0x189: {  	v2 =	vsel vm5, v2, v1  }
0x18a: {  	v58 =	vnsel vm4, $0x0, v3;
	v4 =	vld [tilespmem:$0x1FFB0];
	[tilespmem:s9+$0x2020] =	vst v2;
	vm4 =	vnez.u8 v59  }
0x18b: {  	v60 =	vld [tilespmem:$0x1FE80];
	v5 =	vsel vm4, v1, v58  }
0x18c: {  	v2 =	vld [tilespmem:$0x1FFC0];
	[tilespmem:s9+$0x20A0] =	vst v5  }
0x18d: {  	v61 =	vld [tilespmem:$0x1FEB0];
	_ =	sdelay $0x1  }
0x18e: {  	vm15 =	vnez.u8 v4  }
0x18f: {  	v4 =	vnsel vm15, $0x0, v3;
	vm6 =	vnez.u8 v60  }
0x190: {  	vm5 =	vnez.u8 v2;
	v4 =	vsel vm6, v1, v4  }
0x191: {  	v2 =	vnsel vm5, $0x0, v3;
	v5 =	vld [tilespmem:$0x1FFD0];
	[tilespmem:s9+$0x2120] =	vst v4;
	vm9 =	vnez.u8 v61  }
0x192: {  	v4 =	vld [tilespmem:$0x1FFE0];
	v2 =	vsel vm9, v1, v2  }
0x193: {  	v62 =	vld [tilespmem:$0x1FEE0];
	[tilespmem:s9+$0x21A0] =	vst v2  }
0x194: {  	v63 =	vld [tilespmem:$0x1FF30];
	_ =	sdelay $0x2  }
0x195: {  	vm8 =	vnez.u8 v5  }
0x196: {  	v5 =	vnsel vm8, $0x0, v3;
	vm10 =	vnez.u8 v4;
	vm11 =	vnez.u8 v62  }
0x197: {  	v4 =	vnsel vm10, $0x0, v3;
	v5 =	vsel vm11, v1, v5;
	vm13 =	vnez.u8 v63  }
0x198: {  	v2 =	vld [tilespmem:$0x1FFF0];
	[tilespmem:s14+$0x2000] =	vst v5;
	v4 =	vsel vm13, v1, v4  }
0x199: {  	v5 =	vld [tilespmem:$0x1FF50];
	[tilespmem:s16+$0x2000] =	vst v4  }
0x19a: {  	v4 =	vld [tilespmem:$0x1FF70];
	_ =	sdelay $0x2  }
0x19b: {  	vm12 =	vnez.u8 v2  }
0x19c: {  	v2 =	vnsel vm12, $0x0, v3;
	vm14 =	vnez.u8 v5  }
0x19d: {  	v3 =	vnsel vm7, $0x0, v3;
	v2 =	vsel vm14, v1, v2;
	vm15 =	vnez.u8 v4  }
0x19e: {  	[tilespmem:s13+$0x2000] =	vst v2;
	v1 =	vsel vm15, v1, v3  }
0x19f: {  	s5 =	simm.s32 $0x0;
	[tilespmem:s18+$0x2000] =	vst v1  }
0x1a0: {  	s1 =	simm.s32 $0x2000;
	s3 =	simm.s32 $0x1;
	s0 =	rddreg [dreg:$0x8]  }
0x1a1: {  	[hbm4b:s0+s5] =	stream.linear.scatter [tilespmem:s1], [sflag:$0x1], $0x2000, $0x38;
	[tilespmem:$0x4000] =	vst v63  }
0x1a2: {  	_ =	swait.ge [sflag:s3], $0x2000  }
0x1a3: {  	s30 =	rddreg [dreg:$0xa]  }
0x1a4: {  	s31 =	rddreg [dreg:$0x9];
	s1 =	sadd.s32 $0x1, s30  }
0x1a5: {  	p0 =	sne.s32 s1, s31  }
.Ltmp1:
0x1a6: {  	_ = 	snop;
	(pc) =	sbr.rel @p0 .LBB2_1-.Ltmp1, $3  }
0x1a7: {  	_ =	sdelay $0x1  }
0x1a8: {  	[sflag:s3] =	ssyncset.done $0x0  }
0x1a9: {  	[sflag:s3] =	ssyncadd.s32 $0xFFFFE000  }
0x1aa: {  	_ =	sfence.sel $0x180000  }
0x1ab: {  	[bflag:$0x0] =	sbarrier.arrive $0xFFFF  }
0x1ac: {  	_ =	strace $0x90000047  }
0x1ad: {  	s0 =	stileid.u32;
	[bflag:$0x2] =	sbarrier.arrive $0xFFFF  }
0x1ae: {  	p0 =	sne.s32 s0, $0x0;
	s0 =	rddreg [dreg:$0x2]  }
0x1af: {  	s0 =	sadd.s32 @!p0 $0x100000, s0  }
0x1b0: {  	[sflag:s0] =	ssyncadd.tile.s32 @!p0 $0x1;
	_ =	shalt  }
.Lfunc_end2:
_tile_overlayer_lowered:
.L_overlay_start_2:
0x1b1: {  	(tag) =	ssettag $0x2  }
0x1b2: {  	s0 =	rddreg [dreg:$0x0];
	s2 =	stileid.u32  }
0x1b3: {  	s1 =	rddreg [dreg:$0x1];
	p0 =	sne.s32 s2, $0x0  }
0x1b4: {  	s3 =	rddreg [dreg:$0x2];
	[bflag:$0x3] =	sbarrier.arrive $0xFFFF;
	s2 =	simm.s32 @!p0 $0x1C01  }
0x1b5: {  	[timem:s3], [sflag:s2] =	dma.local @!p0 [hbm:s0], s1  }
0x1b6: {  	s0 =	simm.s32 @!p0 $0x1  }
0x1b7: {  	_ =	swait.ge @!p0 [sflag:s0], s1  }
0x1b8: {  	s1 =	ssub.s32 @!p0 $0x0, s1;
	[sflag:s0] =	ssyncset.done @!p0 $0x0  }
0x1b9: {  	[sflag:s0] =	ssyncadd.s32 @!p0 s1  }
0x1ba: {  	[bflag:$0x3] =	sbarrier.arrive $0xFFFF  }
0x1bb: {  	_ =	shalt  }

</sc_bundles>
